<compile_context>
chip_gen: v7x
topology: tpu7x:2x2x1
jax: 0.10.2.dev20260603
libtpu: 0.0.44.dev20260713+nightly
codegen_flags: <defaults>
</compile_context>

<pallas_src>
import dataclasses
import functools

import jax
import jax.numpy as jnp
from jax import lax
from jax.experimental import pallas as pl
from jax.experimental.pallas import tpu as pltpu
from jax.experimental.pallas import tpu_sc as plsc

N = 4194304
NUM_BINS = 1001
LANES = 16
BLK = 8192
UNROLL = 8
NC, NS = 2, 16
NW = NC * NS

_MAGIC = 2.0 ** 23


def _compiler_params():
    cp = pltpu.CompilerParams()
    if "needs_layout_passes" in pltpu.CompilerParams.__dataclass_fields__:
        cp = dataclasses.replace(cp, needs_layout_passes=False)
    return cp


def _make_sc_loss():
    mesh = plsc.VectorSubcoreMesh(core_axis_name="c", subcore_axis_name="s")

    @functools.partial(
        pl.kernel,
        out_type=jax.ShapeDtypeStruct((NW, LANES), jnp.float32),
        mesh=mesh,
        compiler_params=_compiler_params(),
        scratch_types=[
            pltpu.VMEM((NUM_BINS,), jnp.float32),
            pltpu.VMEM((LANES,), jnp.float32),
        ],
    )
    def sc_loss(p_hbm, t_hbm, w_hbm, out_hbm, table_v, acc_v):
        pltpu.sync_copy(w_hbm, table_v)
        acc_v[...] = jnp.zeros((LANES,), jnp.float32)

        def body(p_v, t_v):
            def it(j, accs):
                base = j * (LANES * UNROLL)
                out = []
                for u in range(UNROLL):
                    sl = pl.ds(base + u * LANES, LANES)
                    p = p_v[sl]
                    t = t_v[sl]
                    y = t * jnp.float32(100.0) + jnp.float32(_MAGIC)
                    idx = plsc.bitcast(y, jnp.int32) & jnp.int32(0x7FFFFF)
                    w = plsc.load_gather(table_v, [idx])
                    d = p - t
                    out.append(accs[u] + w * (d * d))
                return tuple(out)

            zero = jnp.zeros((LANES,), jnp.float32)
            accs = lax.fori_loop(0, BLK // (LANES * UNROLL), it,
                                 (zero,) * UNROLL)
            total = accs[0]
            for u in range(1, UNROLL):
                total = total + accs[u]
            acc_v[...] = acc_v[...] + total

        pltpu.emit_pipeline(
            body,
            grid=(N // BLK,),
            in_specs=[
                pl.BlockSpec((BLK,), lambda i: (i,)),
                pl.BlockSpec((BLK,), lambda i: (i,)),
            ],
            out_specs=[],
            core_axis_name=("c", "s"),
            dimension_semantics=(pltpu.PARALLEL,),
        )(p_hbm, t_hbm)

        wid = lax.axis_index("s") * NC + lax.axis_index("c")
        pltpu.sync_copy(acc_v, out_hbm.at[wid])

    return sc_loss


_sc_loss = _make_sc_loss()


def kernel(predictions, targets, weight_tensor):
    partials = _sc_loss(predictions, targets, weight_tensor)
    return jnp.sum(partials) / jnp.float32(N)

# --- scband reference (transcript-rebuilt; emitter-appended) ---
"""Pipeline reference for scband-inverse-frequency-mseloss-53017076302164 (READ-ONLY COPY).

The authoritative reference and input builder live on the scoring server;
editing this copy changes nothing except your own understanding.
"""

import jax, jax.numpy as jnp
import numpy as np

MIN_RATING = 0.0
SCALE = 100.0  # 10 ** precision, precision=2
NUM_BINS = 1001  # int(round((10.0 - 0.0) * 100)) + 1


def setup_inputs(seed: int = 0) -> dict:
    key = jax.random.key(seed)
    k1, k2 = jax.random.split(key)
    N = 4194304
    predictions = jax.random.normal(k1, (N,), dtype=jnp.float32)
    targets = jax.random.uniform(k2, (N,), dtype=jnp.float32)
    # weight buffer built in __init__: rating_to_weight={} so every bin -> 1.0
    weight_tensor = jnp.ones((NUM_BINS,), dtype=jnp.float32)
    return {"predictions": predictions, "targets": targets, "weight_tensor": weight_tensor}


def reference(predictions, targets, weight_tensor):
    indices = jnp.round((targets - MIN_RATING) * SCALE).astype(jnp.int32)
    indices = jnp.clip(indices, 0, weight_tensor.shape[0] - 1)
    weights = jnp.take(weight_tensor, indices, axis=0)
    loss = weights * (predictions - targets) ** 2
    return jnp.mean(loss)

if __name__ == "__main__":
    import jax
    _d = setup_inputs()
    print(jax.jit(kernel)(*tuple(_d.values())))

</pallas_src>

<mosaic_0001>
#map = affine_map<(d0, d1) -> (0)>
#map1 = affine_map<(d0, d1) -> (0, 0)>
module attributes {stable_mosaic.version = 14 : i64} {
  func.func @sc_loss(%arg0: i32, %arg1: i32, %arg2: memref<4194304xf32, #tpu.memory_space<hbm>>, %arg3: memref<4194304xf32, #tpu.memory_space<hbm>>, %arg4: memref<1001xf32, #tpu.memory_space<hbm>>, %arg5: memref<32x16xf32, #tpu.memory_space<hbm>>, %arg6: memref<1001xf32, #tpu.memory_space<vmem>>, %arg7: memref<16xf32, #tpu.memory_space<vmem>>) attributes {dimension_semantics = [#tpu.dimension_semantics<core_parallel>, #tpu.dimension_semantics<subcore_parallel>], iteration_bounds = array<i64: 2, 16>, scalar_prefetch = 0 : i64, scratch_operands = 2 : i64, tpu.core_type = #tpu.core_type<sc_vector_subcore>, window_params = [{transform_indices = #map}, {transform_indices = #map}, {transform_indices = #map}, {transform_indices = #map1}]} {
    "tpu.region"() ({
      %run_scoped3A = tpu.sem_alloc : memref<!tpu.dma_semaphore, #tpu.memory_space<semaphore_mem>>
      tpu.enqueue_dma source(%arg4 : memref<1001xf32, #tpu.memory_space<hbm>>) target(%arg6 : memref<1001xf32, #tpu.memory_space<vmem>>) target_semaphore(%run_scoped3A : memref<!tpu.dma_semaphore, #tpu.memory_space<semaphore_mem>>)
      tpu.wait_dma2 semaphore(%run_scoped3A : memref<!tpu.dma_semaphore, #tpu.memory_space<semaphore_mem>>) src(%arg4 : memref<1001xf32, #tpu.memory_space<hbm>>) dst(%arg6 : memref<1001xf32, #tpu.memory_space<vmem>>)
      tpu.yield
    }) : () -> ()
    %broadcast_in_dim3A = arith.constant 0.000000e+00 : f32
    %broadcast_in_dim3A_0 = vector.broadcast %broadcast_in_dim3A : f32 to vector<16xf32>
    %swap3A = arith.constant 0 : index
    %swap3A_1 = tpu.vector_load %arg7[%swap3A] {strides = array<i32>} : memref<16xf32, #tpu.memory_space<vmem>>, vector<16xf32>,
    tpu.vector_store %arg7[%swap3A], %broadcast_in_dim3A_0 {strides = array<i32>} : memref<16xf32, #tpu.memory_space<vmem>>, vector<16xf32>,
    %mul3A = arith.constant 1 : i32
    %mul3A_2 = arith.muli %arg1, %mul3A : i32
    %add3A = arith.constant 0 : i32
    %add3A_3 = arith.addi %add3A, %mul3A_2 : i32
    %mul3A_4 = arith.constant 16 : i32
    %mul3A_5 = arith.muli %arg0, %mul3A_4 : i32
    %add3A_6 = arith.addi %add3A_3, %mul3A_5 : i32
    %mul3A_7 = arith.constant 16 : i32
    %mul3A_8 = arith.muli %add3A_6, %mul3A_7 : i32
    "tpu.region"() ({
      %run_scoped3A = memref.alloca() : memref<16384xf32, #tpu.memory_space<vmem>>
      %run_scoped3A_12 = tpu.sem_alloc : memref<2x!tpu.dma_semaphore, #tpu.memory_space<semaphore_mem>>
      %run_scoped3A_13 = memref.alloca() : memref<16384xf32, #tpu.memory_space<vmem>>
      %run_scoped3A_14 = tpu.sem_alloc : memref<2x!tpu.dma_semaphore, #tpu.memory_space<semaphore_mem>>
      %add3A_15 = arith.constant 0 : i32
      %add3A_16 = arith.addi %add3A_15, %mul3A_8 : i32
      %select_n3A = arith.constant true
      %select_n3A_17 = arith.constant 0 : i32
      %select_n3A_18 = arith.constant -1 : i32
      %select_n3A_19 = arith.select %select_n3A, %select_n3A_18, %select_n3A_17 : i32
      %eq3A = arith.constant -1 : i32
      %eq3A_20 = arith.cmpi eq, %select_n3A_19, %eq3A : i32
      %select_n3A_21 = arith.constant 15 : i32
      %select_n3A_22 = arith.select %eq3A_20, %select_n3A_21, %select_n3A_19 : i32
      %add3A_23 = arith.addi %select_n3A_22, %mul3A_8 : i32
      %select_n3A_24 = arith.constant true
      %select_n3A_25 = arith.constant 0 : i32
      %select_n3A_26 = arith.constant 1 : i32
      %select_n3A_27 = arith.select %select_n3A_24, %select_n3A_26, %select_n3A_25 : i32
      %eq3A_28 = arith.constant 16 : i32
      %eq3A_29 = arith.cmpi eq, %select_n3A_27, %eq3A_28 : i32
      %select_n3A_30 = arith.constant 0 : i32
      %select_n3A_31 = arith.select %eq3A_29, %select_n3A_30, %select_n3A_27 : i32
      %add3A_32 = arith.addi %select_n3A_31, %mul3A_8 : i32
      %add3A_33 = arith.constant 1 : i32
      %add3A_34 = arith.addi %select_n3A_31, %add3A_33 : i32
      %select_n3A_35 = arith.constant true
      %select_n3A_36 = arith.select %select_n3A_35, %add3A_34, %select_n3A_31 : i32
      %eq3A_37 = arith.constant 16 : i32
      %eq3A_38 = arith.cmpi eq, %select_n3A_36, %eq3A_37 : i32
      %select_n3A_39 = arith.constant 0 : i32
      %select_n3A_40 = arith.select %eq3A_38, %select_n3A_39, %select_n3A_36 : i32
      %add3A_41 = arith.addi %select_n3A_40, %mul3A_8 : i32
      "tpu.trace_start"() <{level = 10 : i32, message = "ep_initialize_0"}> : () -> ()
      %rem3A = arith.constant 0 : i32
      %rem3A_42 = arith.constant 2 : i32
      %rem3A_43 = arith.remui %rem3A, %rem3A_42 : i32
      %mul3A_44 = arith.constant 8192 : i32
      %mul3A_45 = arith.muli %mul3A_44, %add3A_16 : i32
      %mul3A_46 = arith.constant 8192 : i32
      %mul3A_47 = arith.muli %rem3A_43, %mul3A_46 : i32
      %add3A_48 = arith.constant 0 : i32
      %add3A_49 = arith.addi %mul3A_47, %add3A_48 : i32
      %dma_start3A = tpu.memref_slice %run_scoped3A[%add3A_49] : memref<16384xf32, #tpu.memory_space<vmem>> -> memref<8192xf32, #tpu.memory_space<vmem>>
      %dma_start3A_50 = tpu.memref_slice %arg2[%mul3A_45] : memref<4194304xf32, #tpu.memory_space<hbm>> -> memref<8192xf32, #tpu.memory_space<hbm>>
      %dma_start3A_51 = tpu.memref_slice %run_scoped3A_12[%rem3A_43] : memref<2x!tpu.dma_semaphore, #tpu.memory_space<semaphore_mem>> -> memref<1x!tpu.dma_semaphore, #tpu.memory_space<semaphore_mem>>
      %dma_start3A_52 = tpu.memref_squeeze %dma_start3A_51 : memref<1x!tpu.dma_semaphore, #tpu.memory_space<semaphore_mem>> -> memref<!tpu.dma_semaphore, #tpu.memory_space<semaphore_mem>>
      %dma_start3A_53 = tpu.memref_slice %run_scoped3A[%add3A_49] : memref<16384xf32, #tpu.memory_space<vmem>> -> memref<8192xf32, #tpu.memory_space<vmem>>
      %dma_start3A_54 = tpu.memref_slice %arg2[%mul3A_45] : memref<4194304xf32, #tpu.memory_space<hbm>> -> memref<8192xf32, #tpu.memory_space<hbm>>
      tpu.enqueue_dma source(%dma_start3A_54 : memref<8192xf32, #tpu.memory_space<hbm>>) target(%dma_start3A_53 : memref<8192xf32, #tpu.memory_space<vmem>>) target_semaphore(%dma_start3A_52 : memref<!tpu.dma_semaphore, #tpu.memory_space<semaphore_mem>>)
      %add3A_55 = arith.constant 0 : i32
      %add3A_56 = arith.constant 1 : i32
      %add3A_57 = arith.addi %add3A_55, %add3A_56 : i32
      %select_n3A_58 = arith.constant true
      %select_n3A_59 = arith.constant 0 : i32
      %select_n3A_60 = arith.select %select_n3A_58, %add3A_57, %select_n3A_59 : i32
      %rem3A_61 = arith.constant 0 : i32
      %rem3A_62 = arith.constant 2 : i32
      %rem3A_63 = arith.remui %rem3A_61, %rem3A_62 : i32
      %mul3A_64 = arith.constant 8192 : i32
      %mul3A_65 = arith.muli %mul3A_64, %add3A_16 : i32
      %mul3A_66 = arith.constant 8192 : i32
      %mul3A_67 = arith.muli %rem3A_63, %mul3A_66 : i32
      %add3A_68 = arith.constant 0 : i32
      %add3A_69 = arith.addi %mul3A_67, %add3A_68 : i32
      %dma_start3A_70 = tpu.memref_slice %run_scoped3A_13[%add3A_69] : memref<16384xf32, #tpu.memory_space<vmem>> -> memref<8192xf32, #tpu.memory_space<vmem>>
      %dma_start3A_71 = tpu.memref_slice %arg3[%mul3A_65] : memref<4194304xf32, #tpu.memory_space<hbm>> -> memref<8192xf32, #tpu.memory_space<hbm>>
      %dma_start3A_72 = tpu.memref_slice %run_scoped3A_14[%rem3A_63] : memref<2x!tpu.dma_semaphore, #tpu.memory_space<semaphore_mem>> -> memref<1x!tpu.dma_semaphore, #tpu.memory_space<semaphore_mem>>
      %dma_start3A_73 = tpu.memref_squeeze %dma_start3A_72 : memref<1x!tpu.dma_semaphore, #tpu.memory_space<semaphore_mem>> -> memref<!tpu.dma_semaphore, #tpu.memory_space<semaphore_mem>>
      %dma_start3A_74 = tpu.memref_slice %run_scoped3A_13[%add3A_69] : memref<16384xf32, #tpu.memory_space<vmem>> -> memref<8192xf32, #tpu.memory_space<vmem>>
      %dma_start3A_75 = tpu.memref_slice %arg3[%mul3A_65] : memref<4194304xf32, #tpu.memory_space<hbm>> -> memref<8192xf32, #tpu.memory_space<hbm>>
      tpu.enqueue_dma source(%dma_start3A_75 : memref<8192xf32, #tpu.memory_space<hbm>>) target(%dma_start3A_74 : memref<8192xf32, #tpu.memory_space<vmem>>) target_semaphore(%dma_start3A_73 : memref<!tpu.dma_semaphore, #tpu.memory_space<semaphore_mem>>)
      %add3A_76 = arith.constant 0 : i32
      %add3A_77 = arith.constant 1 : i32
      %add3A_78 = arith.addi %add3A_76, %add3A_77 : i32
      %select_n3A_79 = arith.constant true
      %select_n3A_80 = arith.constant 0 : i32
      %select_n3A_81 = arith.select %select_n3A_79, %add3A_78, %select_n3A_80 : i32
      "tpu.trace_stop"() : () -> ()
      %scan3A = arith.constant 0 : i32
      %scan3A_82 = arith.constant 0 : i32
      %scan3A_83 = arith.constant 0 : i32
      %scan3A_84 = arith.constant 0 : i32
      %scan3A_85 = arith.constant 16 : i32
      %scan3A_86 = arith.addi %scan3A_84, %scan3A_85 : i32
      %scan3A_87 = arith.constant 1 : i32
      %scan3A_88:5 = scf.for %scan3A_125 = %scan3A_84 to %scan3A_86 step %scan3A_87 iter_args(%scan3A_126 = %select_n3A_60, %scan3A_127 = %scan3A, %scan3A_128 = %select_n3A_81, %scan3A_129 = %scan3A_82, %scan3A_130 = %scan3A_83) -> (i32, i32, i32, i32, i32)  : i32 {
        %eq3A_131 = arith.constant 0 : i32
        %eq3A_132 = arith.cmpi eq, %scan3A_125, %eq3A_131 : i32
        %eq3A_133 = arith.constant 15 : i32
        %eq3A_134 = arith.cmpi eq, %scan3A_125, %eq3A_133 : i32
        %add3A_135 = arith.addi %scan3A_130, %mul3A_8 : i32
        %sub3A_136 = arith.constant 1 : i32
        %sub3A_137 = arith.subi %scan3A_130, %sub3A_136 : i32
        %select_n3A_138 = arith.constant true
        %select_n3A_139 = arith.select %select_n3A_138, %sub3A_137, %scan3A_130 : i32
        %eq3A_140 = arith.constant -1 : i32
        %eq3A_141 = arith.cmpi eq, %select_n3A_139, %eq3A_140 : i32
        %select_n3A_142 = arith.constant 15 : i32
        %select_n3A_143 = arith.select %eq3A_141, %select_n3A_142, %select_n3A_139 : i32
        %add3A_144 = arith.addi %select_n3A_143, %mul3A_8 : i32
        %add3A_145 = arith.constant 1 : i32
        %add3A_146 = arith.addi %scan3A_130, %add3A_145 : i32
        %select_n3A_147 = arith.constant true
        %select_n3A_148 = arith.select %select_n3A_147, %add3A_146, %scan3A_130 : i32
        %eq3A_149 = arith.constant 16 : i32
        %eq3A_150 = arith.cmpi eq, %select_n3A_148, %eq3A_149 : i32
        %select_n3A_151 = arith.constant 0 : i32
        %select_n3A_152 = arith.select %eq3A_150, %select_n3A_151, %select_n3A_148 : i32
        %add3A_153 = arith.addi %select_n3A_152, %mul3A_8 : i32
        %add3A_154 = arith.constant 1 : i32
        %add3A_155 = arith.addi %select_n3A_152, %add3A_154 : i32
        %select_n3A_156 = arith.constant true
        %select_n3A_157 = arith.select %select_n3A_156, %add3A_155, %select_n3A_152 : i32
        %eq3A_158 = arith.constant 16 : i32
        %eq3A_159 = arith.cmpi eq, %select_n3A_157, %eq3A_158 : i32
        %select_n3A_160 = arith.constant 0 : i32
        %select_n3A_161 = arith.select %eq3A_159, %select_n3A_160, %select_n3A_157 : i32
        %add3A_162 = arith.addi %select_n3A_161, %mul3A_8 : i32
        %ne3A = arith.cmpi ne, %add3A_135, %add3A_153 : i32
        %or3A = arith.constant false
        %or3A_163 = arith.ori %or3A, %ne3A : i1
        %ge3A = arith.constant 15 : i32
        %ge3A_164 = arith.cmpi sge, %scan3A_125, %ge3A : i32
        %not3A = arith.constant true
        %not3A_165 = arith.xori %ge3A_164, %not3A : i1
        %and3A = arith.andi %or3A_163, %not3A_165 : i1
        %convert_element_type3A = arith.extui %and3A : i1 to i32
        %cond3A = arith.constant 0 : i32
        %cond3A_166 = arith.cmpi ne, %convert_element_type3A, %cond3A : i32
        scf.if %cond3A_166 {
          "tpu.trace_start"() <{level = 10 : i32, message = "ep_copy_in"}> : () -> ()
          %rem3A_291 = arith.constant 2 : i32
          %rem3A_292 = arith.remui %scan3A_126, %rem3A_291 : i32
          %mul3A_293 = arith.constant 8192 : i32
          %mul3A_294 = arith.muli %mul3A_293, %add3A_153 : i32
          %mul3A_295 = arith.constant 8192 : i32
          %mul3A_296 = arith.muli %rem3A_292, %mul3A_295 : i32
          %add3A_297 = arith.constant 0 : i32
          %add3A_298 = arith.addi %mul3A_296, %add3A_297 : i32
          %dma_start3A_299 = tpu.memref_slice %run_scoped3A[%add3A_298] : memref<16384xf32, #tpu.memory_space<vmem>> -> memref<8192xf32, #tpu.memory_space<vmem>>
          %dma_start3A_300 = tpu.memref_slice %arg2[%mul3A_294] : memref<4194304xf32, #tpu.memory_space<hbm>> -> memref<8192xf32, #tpu.memory_space<hbm>>
          %dma_start3A_301 = tpu.memref_slice %run_scoped3A_12[%rem3A_292] : memref<2x!tpu.dma_semaphore, #tpu.memory_space<semaphore_mem>> -> memref<1x!tpu.dma_semaphore, #tpu.memory_space<semaphore_mem>>
          %dma_start3A_302 = tpu.memref_squeeze %dma_start3A_301 : memref<1x!tpu.dma_semaphore, #tpu.memory_space<semaphore_mem>> -> memref<!tpu.dma_semaphore, #tpu.memory_space<semaphore_mem>>
          %dma_start3A_303 = tpu.memref_slice %run_scoped3A[%add3A_298] : memref<16384xf32, #tpu.memory_space<vmem>> -> memref<8192xf32, #tpu.memory_space<vmem>>
          %dma_start3A_304 = tpu.memref_slice %arg2[%mul3A_294] : memref<4194304xf32, #tpu.memory_space<hbm>> -> memref<8192xf32, #tpu.memory_space<hbm>>
          tpu.enqueue_dma source(%dma_start3A_304 : memref<8192xf32, #tpu.memory_space<hbm>>) target(%dma_start3A_303 : memref<8192xf32, #tpu.memory_space<vmem>>) target_semaphore(%dma_start3A_302 : memref<!tpu.dma_semaphore, #tpu.memory_space<semaphore_mem>>)
          "tpu.trace_stop"() : () -> ()
        } else {
        }
        %and3A_167 = arith.constant true
        %and3A_168 = arith.andi %and3A, %and3A_167 : i1
        %add3A_169 = arith.constant 1 : i32
        %add3A_170 = arith.addi %scan3A_126, %add3A_169 : i32
        %select_n3A_171 = arith.select %and3A_168, %add3A_170, %scan3A_126 : i32
        %ne3A_172 = arith.cmpi ne, %add3A_135, %add3A_153 : i32
        %or3A_173 = arith.constant false
        %or3A_174 = arith.ori %or3A_173, %ne3A_172 : i1
        %ge3A_175 = arith.constant 15 : i32
        %ge3A_176 = arith.cmpi sge, %scan3A_125, %ge3A_175 : i32
        %not3A_177 = arith.constant true
        %not3A_178 = arith.xori %ge3A_176, %not3A_177 : i1
        %and3A_179 = arith.andi %or3A_174, %not3A_178 : i1
        %convert_element_type3A_180 = arith.extui %and3A_179 : i1 to i32
        %cond3A_181 = arith.constant 0 : i32
        %cond3A_182 = arith.cmpi ne, %convert_element_type3A_180, %cond3A_181 : i32
        scf.if %cond3A_182 {
          "tpu.trace_start"() <{level = 10 : i32, message = "ep_copy_in"}> : () -> ()
          %rem3A_291 = arith.constant 2 : i32
          %rem3A_292 = arith.remui %scan3A_128, %rem3A_291 : i32
          %mul3A_293 = arith.constant 8192 : i32
          %mul3A_294 = arith.muli %mul3A_293, %add3A_153 : i32
          %mul3A_295 = arith.constant 8192 : i32
          %mul3A_296 = arith.muli %rem3A_292, %mul3A_295 : i32
          %add3A_297 = arith.constant 0 : i32
          %add3A_298 = arith.addi %mul3A_296, %add3A_297 : i32
          %dma_start3A_299 = tpu.memref_slice %run_scoped3A_13[%add3A_298] : memref<16384xf32, #tpu.memory_space<vmem>> -> memref<8192xf32, #tpu.memory_space<vmem>>
          %dma_start3A_300 = tpu.memref_slice %arg3[%mul3A_294] : memref<4194304xf32, #tpu.memory_space<hbm>> -> memref<8192xf32, #tpu.memory_space<hbm>>
          %dma_start3A_301 = tpu.memref_slice %run_scoped3A_14[%rem3A_292] : memref<2x!tpu.dma_semaphore, #tpu.memory_space<semaphore_mem>> -> memref<1x!tpu.dma_semaphore, #tpu.memory_space<semaphore_mem>>
          %dma_start3A_302 = tpu.memref_squeeze %dma_start3A_301 : memref<1x!tpu.dma_semaphore, #tpu.memory_space<semaphore_mem>> -> memref<!tpu.dma_semaphore, #tpu.memory_space<semaphore_mem>>
          %dma_start3A_303 = tpu.memref_slice %run_scoped3A_13[%add3A_298] : memref<16384xf32, #tpu.memory_space<vmem>> -> memref<8192xf32, #tpu.memory_space<vmem>>
          %dma_start3A_304 = tpu.memref_slice %arg3[%mul3A_294] : memref<4194304xf32, #tpu.memory_space<hbm>> -> memref<8192xf32, #tpu.memory_space<hbm>>
          tpu.enqueue_dma source(%dma_start3A_304 : memref<8192xf32, #tpu.memory_space<hbm>>) target(%dma_start3A_303 : memref<8192xf32, #tpu.memory_space<vmem>>) target_semaphore(%dma_start3A_302 : memref<!tpu.dma_semaphore, #tpu.memory_space<semaphore_mem>>)
          "tpu.trace_stop"() : () -> ()
        } else {
        }
        %and3A_183 = arith.constant true
        %and3A_184 = arith.andi %and3A_179, %and3A_183 : i1
        %add3A_185 = arith.constant 1 : i32
        %add3A_186 = arith.addi %scan3A_128, %add3A_185 : i32
        %select_n3A_187 = arith.select %and3A_184, %add3A_186, %scan3A_128 : i32
        %ne3A_188 = arith.cmpi ne, %add3A_135, %add3A_144 : i32
        %or3A_189 = arith.constant false
        %or3A_190 = arith.ori %or3A_189, %ne3A_188 : i1
        %or3A_191 = arith.ori %or3A_190, %eq3A_132 : i1
        %convert_element_type3A_192 = arith.extui %or3A_191 : i1 to i32
        %cond3A_193 = arith.constant 0 : i32
        %cond3A_194 = arith.cmpi ne, %convert_element_type3A_192, %cond3A_193 : i32
        scf.if %cond3A_194 {
          "tpu.trace_start"() <{level = 10 : i32, message = "ep_wait_in"}> : () -> ()
          %mul3A_291 = arith.constant 8192 : i32
          %mul3A_292 = arith.muli %mul3A_291, %add3A_135 : i32
          %rem3A_293 = arith.constant 2 : i32
          %rem3A_294 = arith.remui %scan3A_127, %rem3A_293 : i32
          %mul3A_295 = arith.constant 8192 : i32
          %mul3A_296 = arith.muli %rem3A_294, %mul3A_295 : i32
          %add3A_297 = arith.constant 0 : i32
          %add3A_298 = arith.addi %mul3A_296, %add3A_297 : i32
          %dma_wait3A = tpu.memref_slice %run_scoped3A[%add3A_298] : memref<16384xf32, #tpu.memory_space<vmem>> -> memref<8192xf32, #tpu.memory_space<vmem>>
          %dma_wait3A_299 = tpu.memref_slice %arg2[%mul3A_292] : memref<4194304xf32, #tpu.memory_space<hbm>> -> memref<8192xf32, #tpu.memory_space<hbm>>
          %dma_wait3A_300 = tpu.memref_slice %run_scoped3A_12[%rem3A_294] : memref<2x!tpu.dma_semaphore, #tpu.memory_space<semaphore_mem>> -> memref<1x!tpu.dma_semaphore, #tpu.memory_space<semaphore_mem>>
          %dma_wait3A_301 = tpu.memref_squeeze %dma_wait3A_300 : memref<1x!tpu.dma_semaphore, #tpu.memory_space<semaphore_mem>> -> memref<!tpu.dma_semaphore, #tpu.memory_space<semaphore_mem>>
          %dma_wait3A_302 = tpu.memref_slice %run_scoped3A[%add3A_298] : memref<16384xf32, #tpu.memory_space<vmem>> -> memref<8192xf32, #tpu.memory_space<vmem>>
          %dma_wait3A_303 = tpu.memref_slice %arg2[%mul3A_292] : memref<4194304xf32, #tpu.memory_space<hbm>> -> memref<8192xf32, #tpu.memory_space<hbm>>
          tpu.wait_dma2 semaphore(%dma_wait3A_301 : memref<!tpu.dma_semaphore, #tpu.memory_space<semaphore_mem>>) src(%dma_wait3A_303 : memref<8192xf32, #tpu.memory_space<hbm>>) dst(%dma_wait3A_302 : memref<8192xf32, #tpu.memory_space<vmem>>)
          "tpu.trace_stop"() : () -> ()
        } else {
        }
        %ne3A_195 = arith.cmpi ne, %add3A_135, %add3A_144 : i32
        %or3A_196 = arith.constant false
        %or3A_197 = arith.ori %or3A_196, %ne3A_195 : i1
        %or3A_198 = arith.ori %or3A_197, %eq3A_132 : i1
        %convert_element_type3A_199 = arith.extui %or3A_198 : i1 to i32
        %cond3A_200 = arith.constant 0 : i32
        %cond3A_201 = arith.cmpi ne, %convert_element_type3A_199, %cond3A_200 : i32
        scf.if %cond3A_201 {
          "tpu.trace_start"() <{level = 10 : i32, message = "ep_wait_in"}> : () -> ()
          %mul3A_291 = arith.constant 8192 : i32
          %mul3A_292 = arith.muli %mul3A_291, %add3A_135 : i32
          %rem3A_293 = arith.constant 2 : i32
          %rem3A_294 = arith.remui %scan3A_129, %rem3A_293 : i32
          %mul3A_295 = arith.constant 8192 : i32
          %mul3A_296 = arith.muli %rem3A_294, %mul3A_295 : i32
          %add3A_297 = arith.constant 0 : i32
          %add3A_298 = arith.addi %mul3A_296, %add3A_297 : i32
          %dma_wait3A = tpu.memref_slice %run_scoped3A_13[%add3A_298] : memref<16384xf32, #tpu.memory_space<vmem>> -> memref<8192xf32, #tpu.memory_space<vmem>>
          %dma_wait3A_299 = tpu.memref_slice %arg3[%mul3A_292] : memref<4194304xf32, #tpu.memory_space<hbm>> -> memref<8192xf32, #tpu.memory_space<hbm>>
          %dma_wait3A_300 = tpu.memref_slice %run_scoped3A_14[%rem3A_294] : memref<2x!tpu.dma_semaphore, #tpu.memory_space<semaphore_mem>> -> memref<1x!tpu.dma_semaphore, #tpu.memory_space<semaphore_mem>>
          %dma_wait3A_301 = tpu.memref_squeeze %dma_wait3A_300 : memref<1x!tpu.dma_semaphore, #tpu.memory_space<semaphore_mem>> -> memref<!tpu.dma_semaphore, #tpu.memory_space<semaphore_mem>>
          %dma_wait3A_302 = tpu.memref_slice %run_scoped3A_13[%add3A_298] : memref<16384xf32, #tpu.memory_space<vmem>> -> memref<8192xf32, #tpu.memory_space<vmem>>
          %dma_wait3A_303 = tpu.memref_slice %arg3[%mul3A_292] : memref<4194304xf32, #tpu.memory_space<hbm>> -> memref<8192xf32, #tpu.memory_space<hbm>>
          tpu.wait_dma2 semaphore(%dma_wait3A_301 : memref<!tpu.dma_semaphore, #tpu.memory_space<semaphore_mem>>) src(%dma_wait3A_303 : memref<8192xf32, #tpu.memory_space<hbm>>) dst(%dma_wait3A_302 : memref<8192xf32, #tpu.memory_space<vmem>>)
          "tpu.trace_stop"() : () -> ()
        } else {
        }
        %rem3A_202 = arith.constant 2 : i32
        %rem3A_203 = arith.remui %scan3A_127, %rem3A_202 : i32
        %mul3A_204 = arith.constant 8192 : i32
        %mul3A_205 = arith.muli %rem3A_203, %mul3A_204 : i32
        %rem3A_206 = arith.constant 2 : i32
        %rem3A_207 = arith.remui %scan3A_129, %rem3A_206 : i32
        %mul3A_208 = arith.constant 8192 : i32
        %mul3A_209 = arith.muli %rem3A_207, %mul3A_208 : i32
        %broadcast_in_dim3A_210 = arith.constant 0.000000e+00 : f32
        "tpu.trace_start"() <{level = 10 : i32, message = "ep_run_kernel"}> : () -> ()
        %broadcast_in_dim3A_211 = vector.broadcast %broadcast_in_dim3A_210 : f32 to vector<16xf32>
        %scan3A_212 = arith.constant 0 : i32
        %scan3A_213 = arith.constant 64 : i32
        %scan3A_214 = arith.addi %scan3A_212, %scan3A_213 : i32
        %scan3A_215 = arith.constant 1 : i32
        %scan3A_216:8 = scf.for %scan3A_291 = %scan3A_212 to %scan3A_214 step %scan3A_215 iter_args(%scan3A_292 = %broadcast_in_dim3A_211, %scan3A_293 = %broadcast_in_dim3A_211, %scan3A_294 = %broadcast_in_dim3A_211, %scan3A_295 = %broadcast_in_dim3A_211, %scan3A_296 = %broadcast_in_dim3A_211, %scan3A_297 = %broadcast_in_dim3A_211, %scan3A_298 = %broadcast_in_dim3A_211, %scan3A_299 = %broadcast_in_dim3A_211) -> (vector<16xf32>, vector<16xf32>, vector<16xf32>, vector<16xf32>, vector<16xf32>, vector<16xf32>, vector<16xf32>, vector<16xf32>)  : i32 {
          %mul3A_300 = arith.constant 128 : i32
          %mul3A_301 = arith.muli %scan3A_291, %mul3A_300 : i32
          %add3A_302 = arith.constant 0 : i32
          %add3A_303 = arith.addi %mul3A_301, %add3A_302 : i32
          %get3A_304 = tpu.memref_slice %run_scoped3A[%mul3A_205] : memref<16384xf32, #tpu.memory_space<vmem>> -> memref<8192xf32, #tpu.memory_space<vmem>>
          %get3A_305 = arith.index_cast %add3A_303 : i32 to index
          %get3A_306 = tpu.vector_load %get3A_304[%get3A_305] {strides = array<i32>} : memref<8192xf32, #tpu.memory_space<vmem>>, vector<16xf32>,
          %get3A_307 = tpu.memref_slice %run_scoped3A_13[%mul3A_209] : memref<16384xf32, #tpu.memory_space<vmem>> -> memref<8192xf32, #tpu.memory_space<vmem>>
          %get3A_308 = arith.index_cast %add3A_303 : i32 to index
          %get3A_309 = tpu.vector_load %get3A_307[%get3A_308] {strides = array<i32>} : memref<8192xf32, #tpu.memory_space<vmem>>, vector<16xf32>,
          %mul3A_310 = arith.constant 1.000000e+02 : f32
          %mul3A_311 = vector.broadcast %mul3A_310 : f32 to vector<16xf32>
          %mul3A_312 = arith.mulf %get3A_309, %mul3A_311 : vector<16xf32>
          %add3A_313 = arith.constant 0x4B000000 : f32
          %add3A_314 = vector.broadcast %add3A_313 : f32 to vector<16xf32>
          %add3A_315 = arith.addf %mul3A_312, %add3A_314 : vector<16xf32>
          %bitcast3A = vector.bitcast %add3A_315 : vector<16xf32> to vector<16xi32>
          %and3A_316 = arith.constant 8388607 : i32
          %and3A_317 = vector.broadcast %and3A_316 : i32 to vector<16xi32>
          %and3A_318 = arith.andi %bitcast3A, %and3A_317 : vector<16xi32>
          %gather3A = tpu.vector_load_idx %arg6[%and3A_318] : memref<1001xf32, #tpu.memory_space<vmem>>[vector<16xi32>], vector<16xf32>,
          %sub3A_319 = arith.subf %get3A_306, %get3A_309 : vector<16xf32>
          %mul3A_320 = arith.mulf %sub3A_319, %sub3A_319 : vector<16xf32>
          %mul3A_321 = arith.mulf %gather3A, %mul3A_320 : vector<16xf32>
          %add3A_322 = arith.addf %scan3A_292, %mul3A_321 : vector<16xf32>
          %add3A_323 = arith.constant 16 : i32
          %add3A_324 = arith.addi %mul3A_301, %add3A_323 : i32
          %get3A_325 = tpu.memref_slice %run_scoped3A[%mul3A_205] : memref<16384xf32, #tpu.memory_space<vmem>> -> memref<8192xf32, #tpu.memory_space<vmem>>
          %get3A_326 = arith.index_cast %add3A_324 : i32 to index
          %get3A_327 = tpu.vector_load %get3A_325[%get3A_326] {strides = array<i32>} : memref<8192xf32, #tpu.memory_space<vmem>>, vector<16xf32>,
          %get3A_328 = tpu.memref_slice %run_scoped3A_13[%mul3A_209] : memref<16384xf32, #tpu.memory_space<vmem>> -> memref<8192xf32, #tpu.memory_space<vmem>>
          %get3A_329 = arith.index_cast %add3A_324 : i32 to index
          %get3A_330 = tpu.vector_load %get3A_328[%get3A_329] {strides = array<i32>} : memref<8192xf32, #tpu.memory_space<vmem>>, vector<16xf32>,
          %mul3A_331 = arith.constant 1.000000e+02 : f32
          %mul3A_332 = vector.broadcast %mul3A_331 : f32 to vector<16xf32>
          %mul3A_333 = arith.mulf %get3A_330, %mul3A_332 : vector<16xf32>
          %add3A_334 = arith.constant 0x4B000000 : f32
          %add3A_335 = vector.broadcast %add3A_334 : f32 to vector<16xf32>
          %add3A_336 = arith.addf %mul3A_333, %add3A_335 : vector<16xf32>
          %bitcast3A_337 = vector.bitcast %add3A_336 : vector<16xf32> to vector<16xi32>
          %and3A_338 = arith.constant 8388607 : i32
          %and3A_339 = vector.broadcast %and3A_338 : i32 to vector<16xi32>
          %and3A_340 = arith.andi %bitcast3A_337, %and3A_339 : vector<16xi32>
          %gather3A_341 = tpu.vector_load_idx %arg6[%and3A_340] : memref<1001xf32, #tpu.memory_space<vmem>>[vector<16xi32>], vector<16xf32>,
          %sub3A_342 = arith.subf %get3A_327, %get3A_330 : vector<16xf32>
          %mul3A_343 = arith.mulf %sub3A_342, %sub3A_342 : vector<16xf32>
          %mul3A_344 = arith.mulf %gather3A_341, %mul3A_343 : vector<16xf32>
          %add3A_345 = arith.addf %scan3A_293, %mul3A_344 : vector<16xf32>
          %add3A_346 = arith.constant 32 : i32
          %add3A_347 = arith.addi %mul3A_301, %add3A_346 : i32
          %get3A_348 = tpu.memref_slice %run_scoped3A[%mul3A_205] : memref<16384xf32, #tpu.memory_space<vmem>> -> memref<8192xf32, #tpu.memory_space<vmem>>
          %get3A_349 = arith.index_cast %add3A_347 : i32 to index
          %get3A_350 = tpu.vector_load %get3A_348[%get3A_349] {strides = array<i32>} : memref<8192xf32, #tpu.memory_space<vmem>>, vector<16xf32>,
          %get3A_351 = tpu.memref_slice %run_scoped3A_13[%mul3A_209] : memref<16384xf32, #tpu.memory_space<vmem>> -> memref<8192xf32, #tpu.memory_space<vmem>>
          %get3A_352 = arith.index_cast %add3A_347 : i32 to index
          %get3A_353 = tpu.vector_load %get3A_351[%get3A_352] {strides = array<i32>} : memref<8192xf32, #tpu.memory_space<vmem>>, vector<16xf32>,
          %mul3A_354 = arith.constant 1.000000e+02 : f32
          %mul3A_355 = vector.broadcast %mul3A_354 : f32 to vector<16xf32>
          %mul3A_356 = arith.mulf %get3A_353, %mul3A_355 : vector<16xf32>
          %add3A_357 = arith.constant 0x4B000000 : f32
          %add3A_358 = vector.broadcast %add3A_357 : f32 to vector<16xf32>
          %add3A_359 = arith.addf %mul3A_356, %add3A_358 : vector<16xf32>
          %bitcast3A_360 = vector.bitcast %add3A_359 : vector<16xf32> to vector<16xi32>
          %and3A_361 = arith.constant 8388607 : i32
          %and3A_362 = vector.broadcast %and3A_361 : i32 to vector<16xi32>
          %and3A_363 = arith.andi %bitcast3A_360, %and3A_362 : vector<16xi32>
          %gather3A_364 = tpu.vector_load_idx %arg6[%and3A_363] : memref<1001xf32, #tpu.memory_space<vmem>>[vector<16xi32>], vector<16xf32>,
          %sub3A_365 = arith.subf %get3A_350, %get3A_353 : vector<16xf32>
          %mul3A_366 = arith.mulf %sub3A_365, %sub3A_365 : vector<16xf32>
          %mul3A_367 = arith.mulf %gather3A_364, %mul3A_366 : vector<16xf32>
          %add3A_368 = arith.addf %scan3A_294, %mul3A_367 : vector<16xf32>
          %add3A_369 = arith.constant 48 : i32
          %add3A_370 = arith.addi %mul3A_301, %add3A_369 : i32
          %get3A_371 = tpu.memref_slice %run_scoped3A[%mul3A_205] : memref<16384xf32, #tpu.memory_space<vmem>> -> memref<8192xf32, #tpu.memory_space<vmem>>
          %get3A_372 = arith.index_cast %add3A_370 : i32 to index
          %get3A_373 = tpu.vector_load %get3A_371[%get3A_372] {strides = array<i32>} : memref<8192xf32, #tpu.memory_space<vmem>>, vector<16xf32>,
          %get3A_374 = tpu.memref_slice %run_scoped3A_13[%mul3A_209] : memref<16384xf32, #tpu.memory_space<vmem>> -> memref<8192xf32, #tpu.memory_space<vmem>>
          %get3A_375 = arith.index_cast %add3A_370 : i32 to index
          %get3A_376 = tpu.vector_load %get3A_374[%get3A_375] {strides = array<i32>} : memref<8192xf32, #tpu.memory_space<vmem>>, vector<16xf32>,
          %mul3A_377 = arith.constant 1.000000e+02 : f32
          %mul3A_378 = vector.broadcast %mul3A_377 : f32 to vector<16xf32>
          %mul3A_379 = arith.mulf %get3A_376, %mul3A_378 : vector<16xf32>
          %add3A_380 = arith.constant 0x4B000000 : f32
          %add3A_381 = vector.broadcast %add3A_380 : f32 to vector<16xf32>
          %add3A_382 = arith.addf %mul3A_379, %add3A_381 : vector<16xf32>
          %bitcast3A_383 = vector.bitcast %add3A_382 : vector<16xf32> to vector<16xi32>
          %and3A_384 = arith.constant 8388607 : i32
          %and3A_385 = vector.broadcast %and3A_384 : i32 to vector<16xi32>
          %and3A_386 = arith.andi %bitcast3A_383, %and3A_385 : vector<16xi32>
          %gather3A_387 = tpu.vector_load_idx %arg6[%and3A_386] : memref<1001xf32, #tpu.memory_space<vmem>>[vector<16xi32>], vector<16xf32>,
          %sub3A_388 = arith.subf %get3A_373, %get3A_376 : vector<16xf32>
          %mul3A_389 = arith.mulf %sub3A_388, %sub3A_388 : vector<16xf32>
          %mul3A_390 = arith.mulf %gather3A_387, %mul3A_389 : vector<16xf32>
          %add3A_391 = arith.addf %scan3A_295, %mul3A_390 : vector<16xf32>
          %add3A_392 = arith.constant 64 : i32
          %add3A_393 = arith.addi %mul3A_301, %add3A_392 : i32
          %get3A_394 = tpu.memref_slice %run_scoped3A[%mul3A_205] : memref<16384xf32, #tpu.memory_space<vmem>> -> memref<8192xf32, #tpu.memory_space<vmem>>
          %get3A_395 = arith.index_cast %add3A_393 : i32 to index
          %get3A_396 = tpu.vector_load %get3A_394[%get3A_395] {strides = array<i32>} : memref<8192xf32, #tpu.memory_space<vmem>>, vector<16xf32>,
          %get3A_397 = tpu.memref_slice %run_scoped3A_13[%mul3A_209] : memref<16384xf32, #tpu.memory_space<vmem>> -> memref<8192xf32, #tpu.memory_space<vmem>>
          %get3A_398 = arith.index_cast %add3A_393 : i32 to index
          %get3A_399 = tpu.vector_load %get3A_397[%get3A_398] {strides = array<i32>} : memref<8192xf32, #tpu.memory_space<vmem>>, vector<16xf32>,
          %mul3A_400 = arith.constant 1.000000e+02 : f32
          %mul3A_401 = vector.broadcast %mul3A_400 : f32 to vector<16xf32>
          %mul3A_402 = arith.mulf %get3A_399, %mul3A_401 : vector<16xf32>
          %add3A_403 = arith.constant 0x4B000000 : f32
          %add3A_404 = vector.broadcast %add3A_403 : f32 to vector<16xf32>
          %add3A_405 = arith.addf %mul3A_402, %add3A_404 : vector<16xf32>
          %bitcast3A_406 = vector.bitcast %add3A_405 : vector<16xf32> to vector<16xi32>
          %and3A_407 = arith.constant 8388607 : i32
          %and3A_408 = vector.broadcast %and3A_407 : i32 to vector<16xi32>
          %and3A_409 = arith.andi %bitcast3A_406, %and3A_408 : vector<16xi32>
          %gather3A_410 = tpu.vector_load_idx %arg6[%and3A_409] : memref<1001xf32, #tpu.memory_space<vmem>>[vector<16xi32>], vector<16xf32>,
          %sub3A_411 = arith.subf %get3A_396, %get3A_399 : vector<16xf32>
          %mul3A_412 = arith.mulf %sub3A_411, %sub3A_411 : vector<16xf32>
          %mul3A_413 = arith.mulf %gather3A_410, %mul3A_412 : vector<16xf32>
          %add3A_414 = arith.addf %scan3A_296, %mul3A_413 : vector<16xf32>
          %add3A_415 = arith.constant 80 : i32
          %add3A_416 = arith.addi %mul3A_301, %add3A_415 : i32
          %get3A_417 = tpu.memref_slice %run_scoped3A[%mul3A_205] : memref<16384xf32, #tpu.memory_space<vmem>> -> memref<8192xf32, #tpu.memory_space<vmem>>
          %get3A_418 = arith.index_cast %add3A_416 : i32 to index
          %get3A_419 = tpu.vector_load %get3A_417[%get3A_418] {strides = array<i32>} : memref<8192xf32, #tpu.memory_space<vmem>>, vector<16xf32>,
          %get3A_420 = tpu.memref_slice %run_scoped3A_13[%mul3A_209] : memref<16384xf32, #tpu.memory_space<vmem>> -> memref<8192xf32, #tpu.memory_space<vmem>>
          %get3A_421 = arith.index_cast %add3A_416 : i32 to index
          %get3A_422 = tpu.vector_load %get3A_420[%get3A_421] {strides = array<i32>} : memref<8192xf32, #tpu.memory_space<vmem>>, vector<16xf32>,
          %mul3A_423 = arith.constant 1.000000e+02 : f32
          %mul3A_424 = vector.broadcast %mul3A_423 : f32 to vector<16xf32>
          %mul3A_425 = arith.mulf %get3A_422, %mul3A_424 : vector<16xf32>
          %add3A_426 = arith.constant 0x4B000000 : f32
          %add3A_427 = vector.broadcast %add3A_426 : f32 to vector<16xf32>
          %add3A_428 = arith.addf %mul3A_425, %add3A_427 : vector<16xf32>
          %bitcast3A_429 = vector.bitcast %add3A_428 : vector<16xf32> to vector<16xi32>
          %and3A_430 = arith.constant 8388607 : i32
          %and3A_431 = vector.broadcast %and3A_430 : i32 to vector<16xi32>
          %and3A_432 = arith.andi %bitcast3A_429, %and3A_431 : vector<16xi32>
          %gather3A_433 = tpu.vector_load_idx %arg6[%and3A_432] : memref<1001xf32, #tpu.memory_space<vmem>>[vector<16xi32>], vector<16xf32>,
          %sub3A_434 = arith.subf %get3A_419, %get3A_422 : vector<16xf32>
          %mul3A_435 = arith.mulf %sub3A_434, %sub3A_434 : vector<16xf32>
          %mul3A_436 = arith.mulf %gather3A_433, %mul3A_435 : vector<16xf32>
          %add3A_437 = arith.addf %scan3A_297, %mul3A_436 : vector<16xf32>
          %add3A_438 = arith.constant 96 : i32
          %add3A_439 = arith.addi %mul3A_301, %add3A_438 : i32
          %get3A_440 = tpu.memref_slice %run_scoped3A[%mul3A_205] : memref<16384xf32, #tpu.memory_space<vmem>> -> memref<8192xf32, #tpu.memory_space<vmem>>
          %get3A_441 = arith.index_cast %add3A_439 : i32 to index
          %get3A_442 = tpu.vector_load %get3A_440[%get3A_441] {strides = array<i32>} : memref<8192xf32, #tpu.memory_space<vmem>>, vector<16xf32>,
          %get3A_443 = tpu.memref_slice %run_scoped3A_13[%mul3A_209] : memref<16384xf32, #tpu.memory_space<vmem>> -> memref<8192xf32, #tpu.memory_space<vmem>>
          %get3A_444 = arith.index_cast %add3A_439 : i32 to index
          %get3A_445 = tpu.vector_load %get3A_443[%get3A_444] {strides = array<i32>} : memref<8192xf32, #tpu.memory_space<vmem>>, vector<16xf32>,
          %mul3A_446 = arith.constant 1.000000e+02 : f32
          %mul3A_447 = vector.broadcast %mul3A_446 : f32 to vector<16xf32>
          %mul3A_448 = arith.mulf %get3A_445, %mul3A_447 : vector<16xf32>
          %add3A_449 = arith.constant 0x4B000000 : f32
          %add3A_450 = vector.broadcast %add3A_449 : f32 to vector<16xf32>
          %add3A_451 = arith.addf %mul3A_448, %add3A_450 : vector<16xf32>
          %bitcast3A_452 = vector.bitcast %add3A_451 : vector<16xf32> to vector<16xi32>
          %and3A_453 = arith.constant 8388607 : i32
          %and3A_454 = vector.broadcast %and3A_453 : i32 to vector<16xi32>
          %and3A_455 = arith.andi %bitcast3A_452, %and3A_454 : vector<16xi32>
          %gather3A_456 = tpu.vector_load_idx %arg6[%and3A_455] : memref<1001xf32, #tpu.memory_space<vmem>>[vector<16xi32>], vector<16xf32>,
          %sub3A_457 = arith.subf %get3A_442, %get3A_445 : vector<16xf32>
          %mul3A_458 = arith.mulf %sub3A_457, %sub3A_457 : vector<16xf32>
          %mul3A_459 = arith.mulf %gather3A_456, %mul3A_458 : vector<16xf32>
          %add3A_460 = arith.addf %scan3A_298, %mul3A_459 : vector<16xf32>
          %add3A_461 = arith.constant 112 : i32
          %add3A_462 = arith.addi %mul3A_301, %add3A_461 : i32
          %get3A_463 = tpu.memref_slice %run_scoped3A[%mul3A_205] : memref<16384xf32, #tpu.memory_space<vmem>> -> memref<8192xf32, #tpu.memory_space<vmem>>
          %get3A_464 = arith.index_cast %add3A_462 : i32 to index
          %get3A_465 = tpu.vector_load %get3A_463[%get3A_464] {strides = array<i32>} : memref<8192xf32, #tpu.memory_space<vmem>>, vector<16xf32>,
          %get3A_466 = tpu.memref_slice %run_scoped3A_13[%mul3A_209] : memref<16384xf32, #tpu.memory_space<vmem>> -> memref<8192xf32, #tpu.memory_space<vmem>>
          %get3A_467 = arith.index_cast %add3A_462 : i32 to index
          %get3A_468 = tpu.vector_load %get3A_466[%get3A_467] {strides = array<i32>} : memref<8192xf32, #tpu.memory_space<vmem>>, vector<16xf32>,
          %mul3A_469 = arith.constant 1.000000e+02 : f32
          %mul3A_470 = vector.broadcast %mul3A_469 : f32 to vector<16xf32>
          %mul3A_471 = arith.mulf %get3A_468, %mul3A_470 : vector<16xf32>
          %add3A_472 = arith.constant 0x4B000000 : f32
          %add3A_473 = vector.broadcast %add3A_472 : f32 to vector<16xf32>
          %add3A_474 = arith.addf %mul3A_471, %add3A_473 : vector<16xf32>
          %bitcast3A_475 = vector.bitcast %add3A_474 : vector<16xf32> to vector<16xi32>
          %and3A_476 = arith.constant 8388607 : i32
          %and3A_477 = vector.broadcast %and3A_476 : i32 to vector<16xi32>
          %and3A_478 = arith.andi %bitcast3A_475, %and3A_477 : vector<16xi32>
          %gather3A_479 = tpu.vector_load_idx %arg6[%and3A_478] : memref<1001xf32, #tpu.memory_space<vmem>>[vector<16xi32>], vector<16xf32>,
          %sub3A_480 = arith.subf %get3A_465, %get3A_468 : vector<16xf32>
          %mul3A_481 = arith.mulf %sub3A_480, %sub3A_480 : vector<16xf32>
          %mul3A_482 = arith.mulf %gather3A_479, %mul3A_481 : vector<16xf32>
          %add3A_483 = arith.addf %scan3A_299, %mul3A_482 : vector<16xf32>
          scf.yield %add3A_322, %add3A_345, %add3A_368, %add3A_391, %add3A_414, %add3A_437, %add3A_460, %add3A_483 : vector<16xf32>, vector<16xf32>, vector<16xf32>, vector<16xf32>, vector<16xf32>, vector<16xf32>, vector<16xf32>, vector<16xf32>
        }
        %scan3A_217 = arith.constant 64 : i32
        %add3A_218 = arith.addf %scan3A_216#0, %scan3A_216#1 : vector<16xf32>
        %add3A_219 = arith.addf %add3A_218, %scan3A_216#2 : vector<16xf32>
        %add3A_220 = arith.addf %add3A_219, %scan3A_216#3 : vector<16xf32>
        %add3A_221 = arith.addf %add3A_220, %scan3A_216#4 : vector<16xf32>
        %add3A_222 = arith.addf %add3A_221, %scan3A_216#5 : vector<16xf32>
        %add3A_223 = arith.addf %add3A_222, %scan3A_216#6 : vector<16xf32>
        %add3A_224 = arith.addf %add3A_223, %scan3A_216#7 : vector<16xf32>
        %get3A = arith.constant 0 : index
        %get3A_225 = tpu.vector_load %arg7[%get3A] {strides = array<i32>} : memref<16xf32, #tpu.memory_space<vmem>>, vector<16xf32>,
        %add3A_226 = arith.addf %get3A_225, %add3A_224 : vector<16xf32>
        %swap3A_227 = arith.constant 0 : index
        %swap3A_228 = tpu.vector_load %arg7[%swap3A_227] {strides = array<i32>} : memref<16xf32, #tpu.memory_space<vmem>>, vector<16xf32>,
        tpu.vector_store %arg7[%swap3A_227], %add3A_226 {strides = array<i32>} : memref<16xf32, #tpu.memory_space<vmem>>, vector<16xf32>,
        "tpu.trace_stop"() : () -> ()
        %ne3A_229 = arith.cmpi ne, %add3A_135, %add3A_153 : i32
        %or3A_230 = arith.constant false
        %or3A_231 = arith.ori %or3A_230, %ne3A_229 : i1
        %or3A_232 = arith.ori %or3A_231, %eq3A_134 : i1
        %convert_element_type3A_233 = arith.extui %or3A_232 : i1 to i32
        %cond3A_234 = arith.constant 0 : i32
        %cond3A_235 = arith.cmpi ne, %convert_element_type3A_233, %cond3A_234 : i32
        scf.if %cond3A_235 {
        } else {
        }
        %and3A_236 = arith.constant false
        %and3A_237 = arith.andi %or3A_232, %and3A_236 : i1
        %ne3A_238 = arith.cmpi ne, %add3A_135, %add3A_153 : i32
        %or3A_239 = arith.constant false
        %or3A_240 = arith.ori %or3A_239, %ne3A_238 : i1
        %or3A_241 = arith.ori %or3A_240, %eq3A_134 : i1
        %convert_element_type3A_242 = arith.extui %or3A_241 : i1 to i32
        %cond3A_243 = arith.constant 0 : i32
        %cond3A_244 = arith.cmpi ne, %convert_element_type3A_242, %cond3A_243 : i32
        scf.if %cond3A_244 {
        } else {
        }
        %and3A_245 = arith.constant false
        %and3A_246 = arith.andi %or3A_241, %and3A_245 : i1
        %ne3A_247 = arith.cmpi ne, %add3A_135, %add3A_144 : i32
        %or3A_248 = arith.constant false
        %or3A_249 = arith.ori %or3A_248, %ne3A_247 : i1
        %not3A_250 = arith.constant true
        %not3A_251 = arith.xori %eq3A_132, %not3A_250 : i1
        %and3A_252 = arith.andi %or3A_249, %not3A_251 : i1
        %convert_element_type3A_253 = arith.extui %and3A_252 : i1 to i32
        %cond3A_254 = arith.constant 0 : i32
        %cond3A_255 = arith.cmpi ne, %convert_element_type3A_253, %cond3A_254 : i32
        scf.if %cond3A_255 {
        } else {
        }
        %and3A_256 = arith.constant false
        %and3A_257 = arith.andi %and3A_252, %and3A_256 : i1
        %ne3A_258 = arith.cmpi ne, %add3A_135, %add3A_144 : i32
        %or3A_259 = arith.constant false
        %or3A_260 = arith.ori %or3A_259, %ne3A_258 : i1
        %not3A_261 = arith.constant true
        %not3A_262 = arith.xori %eq3A_132, %not3A_261 : i1
        %and3A_263 = arith.andi %or3A_260, %not3A_262 : i1
        %convert_element_type3A_264 = arith.extui %and3A_263 : i1 to i32
        %cond3A_265 = arith.constant 0 : i32
        %cond3A_266 = arith.cmpi ne, %convert_element_type3A_264, %cond3A_265 : i32
        scf.if %cond3A_266 {
        } else {
        }
        %and3A_267 = arith.constant false
        %and3A_268 = arith.andi %and3A_263, %and3A_267 : i1
        %ne3A_269 = arith.cmpi ne, %add3A_135, %add3A_153 : i32
        %or3A_270 = arith.constant false
        %or3A_271 = arith.ori %or3A_270, %ne3A_269 : i1
        %or3A_272 = arith.ori %or3A_271, %eq3A_134 : i1
        %add3A_273 = arith.constant 1 : i32
        %add3A_274 = arith.addi %scan3A_127, %add3A_273 : i32
        %select_n3A_275 = arith.select %or3A_272, %add3A_274, %scan3A_127 : i32
        %ne3A_276 = arith.cmpi ne, %add3A_135, %add3A_153 : i32
        %or3A_277 = arith.constant false
        %or3A_278 = arith.ori %or3A_277, %ne3A_276 : i1
        %or3A_279 = arith.ori %or3A_278, %eq3A_134 : i1
        %add3A_280 = arith.constant 1 : i32
        %add3A_281 = arith.addi %scan3A_129, %add3A_280 : i32
        %select_n3A_282 = arith.select %or3A_279, %add3A_281, %scan3A_129 : i32
        %add3A_283 = arith.constant 1 : i32
        %add3A_284 = arith.addi %scan3A_130, %add3A_283 : i32
        %select_n3A_285 = arith.constant true
        %select_n3A_286 = arith.select %select_n3A_285, %add3A_284, %scan3A_130 : i32
        %eq3A_287 = arith.constant 16 : i32
        %eq3A_288 = arith.cmpi eq, %select_n3A_286, %eq3A_287 : i32
        %select_n3A_289 = arith.constant 0 : i32
        %select_n3A_290 = arith.select %eq3A_288, %select_n3A_289, %select_n3A_286 : i32
        scf.yield %select_n3A_171, %select_n3A_275, %select_n3A_187, %select_n3A_282, %select_n3A_290 : i32, i32, i32, i32, i32
      }
      %scan3A_89 = arith.constant 16 : i32
      %sub3A = arith.constant 1 : i32
      %sub3A_90 = arith.subi %scan3A_88#4, %sub3A : i32
      %select_n3A_91 = arith.constant true
      %select_n3A_92 = arith.select %select_n3A_91, %sub3A_90, %scan3A_88#4 : i32
      %eq3A_93 = arith.constant -1 : i32
      %eq3A_94 = arith.cmpi eq, %select_n3A_92, %eq3A_93 : i32
      %select_n3A_95 = arith.constant 15 : i32
      %select_n3A_96 = arith.select %eq3A_94, %select_n3A_95, %select_n3A_92 : i32
      %add3A_97 = arith.addi %select_n3A_96, %mul3A_8 : i32
      %sub3A_98 = arith.constant 1 : i32
      %sub3A_99 = arith.subi %select_n3A_96, %sub3A_98 : i32
      %select_n3A_100 = arith.constant true
      %select_n3A_101 = arith.select %select_n3A_100, %sub3A_99, %select_n3A_96 : i32
      %eq3A_102 = arith.constant -1 : i32
      %eq3A_103 = arith.cmpi eq, %select_n3A_101, %eq3A_102 : i32
      %select_n3A_104 = arith.constant 15 : i32
      %select_n3A_105 = arith.select %eq3A_103, %select_n3A_104, %select_n3A_101 : i32
      %add3A_106 = arith.addi %select_n3A_105, %mul3A_8 : i32
      %add3A_107 = arith.constant 1 : i32
      %add3A_108 = arith.addi %select_n3A_96, %add3A_107 : i32
      %select_n3A_109 = arith.constant true
      %select_n3A_110 = arith.select %select_n3A_109, %add3A_108, %select_n3A_96 : i32
      %eq3A_111 = arith.constant 16 : i32
      %eq3A_112 = arith.cmpi eq, %select_n3A_110, %eq3A_111 : i32
      %select_n3A_113 = arith.constant 0 : i32
      %select_n3A_114 = arith.select %eq3A_112, %select_n3A_113, %select_n3A_110 : i32
      %add3A_115 = arith.addi %select_n3A_114, %mul3A_8 : i32
      %add3A_116 = arith.constant 1 : i32
      %add3A_117 = arith.addi %select_n3A_114, %add3A_116 : i32
      %select_n3A_118 = arith.constant true
      %select_n3A_119 = arith.select %select_n3A_118, %add3A_117, %select_n3A_114 : i32
      %eq3A_120 = arith.constant 16 : i32
      %eq3A_121 = arith.cmpi eq, %select_n3A_119, %eq3A_120 : i32
      %select_n3A_122 = arith.constant 0 : i32
      %select_n3A_123 = arith.select %eq3A_121, %select_n3A_122, %select_n3A_119 : i32
      %add3A_124 = arith.addi %select_n3A_123, %mul3A_8 : i32
      tpu.yield
    }) : () -> ()
    %mul3A_9 = arith.constant 2 : i32
    %mul3A_10 = arith.muli %arg1, %mul3A_9 : i32
    %add3A_11 = arith.addi %mul3A_10, %arg0 : i32
    "tpu.region"() ({
      %run_scoped3A = tpu.sem_alloc : memref<!tpu.dma_semaphore, #tpu.memory_space<semaphore_mem>>
      %dma_start3A = arith.constant 0 : i32
      %dma_start3A_12 = tpu.memref_slice %arg5[%add3A_11, %dma_start3A] : memref<32x16xf32, #tpu.memory_space<hbm>> -> memref<1x16xf32, #tpu.memory_space<hbm>>
      %dma_start3A_13 = tpu.memref_squeeze %dma_start3A_12 : memref<1x16xf32, #tpu.memory_space<hbm>> -> memref<16xf32, #tpu.memory_space<hbm>>
      %dma_start3A_14 = arith.constant 0 : i32
      %dma_start3A_15 = tpu.memref_slice %arg5[%add3A_11, %dma_start3A_14] : memref<32x16xf32, #tpu.memory_space<hbm>> -> memref<1x16xf32, #tpu.memory_space<hbm>>
      %dma_start3A_16 = tpu.memref_squeeze %dma_start3A_15 : memref<1x16xf32, #tpu.memory_space<hbm>> -> memref<16xf32, #tpu.memory_space<hbm>>
      tpu.enqueue_dma source(%arg7 : memref<16xf32, #tpu.memory_space<vmem>>) target(%dma_start3A_16 : memref<16xf32, #tpu.memory_space<hbm>>) target_semaphore(%run_scoped3A : memref<!tpu.dma_semaphore, #tpu.memory_space<semaphore_mem>>)
      %dma_wait3A = arith.constant 0 : i32
      %dma_wait3A_17 = tpu.memref_slice %arg5[%add3A_11, %dma_wait3A] : memref<32x16xf32, #tpu.memory_space<hbm>> -> memref<1x16xf32, #tpu.memory_space<hbm>>
      %dma_wait3A_18 = tpu.memref_squeeze %dma_wait3A_17 : memref<1x16xf32, #tpu.memory_space<hbm>> -> memref<16xf32, #tpu.memory_space<hbm>>
      %dma_wait3A_19 = arith.constant 0 : i32
      %dma_wait3A_20 = tpu.memref_slice %arg5[%add3A_11, %dma_wait3A_19] : memref<32x16xf32, #tpu.memory_space<hbm>> -> memref<1x16xf32, #tpu.memory_space<hbm>>
      %dma_wait3A_21 = tpu.memref_squeeze %dma_wait3A_20 : memref<1x16xf32, #tpu.memory_space<hbm>> -> memref<16xf32, #tpu.memory_space<hbm>>
      tpu.wait_dma2 semaphore(%run_scoped3A : memref<!tpu.dma_semaphore, #tpu.memory_space<semaphore_mem>>) src(%arg7 : memref<16xf32, #tpu.memory_space<vmem>>) dst(%dma_wait3A_21 : memref<16xf32, #tpu.memory_space<hbm>>)
      tpu.yield
    }) : () -> ()
    return
  }
}

</mosaic_0001>

<sc_bundles>
// kernel: kernel.3.cloned.1.call-start
scs
__scs_entry_jumppad:
0x0: {  	(pc) =	sbr.rel $0x88, $3  }
0x1: {  	(tag) =	ssettag $0x0;
	lr =	simm.s32 $0x1  }
0x2: {  	[smem:$0x3F9E] =	sst lr;
	_ =	strace $0xD0000000  }
0x3: {  	_ = 	snop  }
0x4: {  	_ = 	snop  }
0x5: {  	_ = 	snop  }
0x6: {  	_ = 	snop  }
0x7: {  	_ = 	snop  }
__scs_overlays_trampoline_lowered:
0x8: {  	[smem:$0x3FAD] =	sst s0  }
0x9: {  	[smem:$0x3FAE] =	sst s1  }
0xa: {  	[smem:$0x3FAF] =	sst s2  }
0xb: {  	[smem:$0x3FB0] =	sst s3  }
0xc: {  	[smem:$0x3FB1] =	sst s4  }
0xd: {  	[smem:$0x3FB2] =	sst s5  }
0xe: {  	[smem:$0x3FB3] =	sst s6  }
0xf: {  	[smem:$0x3FB4] =	sst s7  }
0x10: {  	[smem:$0x3FB5] =	sst s8  }
0x11: {  	[smem:$0x3FB6] =	sst s9;
	s0 =	simm.s32 @!p0 $0x0  }
0x12: {  	s1 =	sld [smem:$0x3F9C];
	s0 =	simm.s32 @p0 $0x1  }
0x13: {  	[smem:$0x3FB7] =	sst s0;
	s0 =	simm.s32 @!p1 $0x0  }
0x14: {  	s2 =	sld [smem:$0x3F9B];
	s0 =	simm.s32 @p1 $0x1  }
0x15: {  	[smem:$0x3FB8] =	sst s0;
	s0 =	simm.s32 @!p2 $0x0  }
0x16: {  	s3 =	sld [smem:$0x3FDB];
	s0 =	simm.s32 @p2 $0x1  }
0x17: {  	s4 =	simm.s32 $0x1BF5;
	[smem:$0x3FBA] =	sst s0  }
0x18: {  	s0 =	sld [smem:$0x3F9D];
	_ =	swait.ge [sflag:s4], $0x0  }
0x19: {  	s7 =	sld [smem:$0x3F9E]  }
0x1a: {  	s8 =	sadd.s32 $0xFFFFE003, lr  }
0x1b: {  	s9 =	sadd.s32 $0xFFFFFEF7, lr;
	s5 =	simm.s32 $0xFFFFFFFF;
	p2 =	slt.u32 s8, $0xFFFFF086  }
0x1c: {  	p1 =	slt.u32 s9, $0xF7A;
	s5 =	simm.s32 @!p2 $0x0  }
0x1d: {  	s5 =	simm.s32 @p1 $0x1;
	p0 =	seq.s32 s7, s2  }
0x1e: {  	s7 =	smul.u32 @!p0 $0xF7A, s2;
	p2 =	seq.s32 @!p0 s5, $0x0  }
0x1f: {  	s9 =	smul.u32 $0xF7A, s1;
	s8 =	simm.s32 @!p0 $0x1BF5;
	p2 =	por !p2, p0  }
0x20: {  	[sflag:s8] =	ssyncset.s32 @!p0 $0xFFFFF086;
	s6 =	sadd.s32 @!p0 s3, s7;
	s7 =	simm.s32 @!p0 $0x108  }
0x21: {  	s3 =	sadd.s32 s3, s9;
	s6 =	sadd.s32 @!p0 $0x88, s6;
	s7 =	simm.s32 @p2 $0x1082  }
0x22: {  	[simem:s7], [sflag:s8] =	dma.local @!p0 [hbm:s6], $0xF7A  }
0x23: {  	s9 =	sor.u32 $0xD0000000, s2;
	s6 =	simm.s32 $0x108;
	_ =	swait.ge @!p0 [sflag:s8], $0x0  }
0x24: {  	s3 =	sadd.s32 $0x88, s3;
	s6 =	simm.s32 @!p1 $0x1082;
	[sflag:s4] =	ssyncset.s32 $0xFFFFF086  }
0x25: {  	[simem:s6], [sflag:s4] =	dma.local [hbm:s3], $0xF7A  }
0x26: {  	[smem:$0x3F9E] =	sst s1;
	(tag) =	ssettag s2;
	_ =	strace s9  }
0x27: {  	s1 =	sld [smem:$0x3FAE]  }
0x28: {  	s2 =	sld [smem:$0x3FAF]  }
0x29: {  	s4 =	sld [smem:$0x3FB1]  }
0x2a: {  	p0 =	seq.s32 s5, $0x0;
	s5 =	sld [smem:$0x3FB2]  }
0x2b: {  	s6 =	sld [smem:$0x3FB3]  }
0x2c: {  	s7 =	sld [smem:$0x3FB4]  }
0x2d: {  	s3 =	simm.s32 $0x108;
	s8 =	sld [smem:$0x3FB5]  }
0x2e: {  	s3 =	simm.s32 @!p0 $0x1082;
	s9 =	sld [smem:$0x3FB6]  }
0x2f: {  	lr =	sadd.s32 s0, s3;
	s0 =	sld [smem:$0x3FAD]  }
0x30: {  	s3 =	sld [smem:$0x3FB0]  }
0x31: {  	[smem:$0x3FB9] =	sst s10  }
0x32: {  	s10 =	sld [smem:$0x3FB7];
	_ =	sdelay $0x3  }
0x33: {  	p0 =	seq.s32 s10, $0x1;
	s10 =	sld [smem:$0x3FB9];
	_ =	sdelay $0x3  }
0x34: {  	[smem:$0x3FB9] =	sst s10  }
0x35: {  	s10 =	sld [smem:$0x3FB8];
	_ =	sdelay $0x3  }
0x36: {  	p1 =	seq.s32 s10, $0x1;
	s10 =	sld [smem:$0x3FB9];
	_ =	sdelay $0x3  }
0x37: {  	[smem:$0x3FB9] =	sst s10  }
0x38: {  	s10 =	sld [smem:$0x3FBA]  }
0x39: {  	_ = 	snop;
	(pc) =	sbr.ind lr, $3  }
0x3a: {  	_ = 	snop  }
0x3b: {  	_ = 	snop  }
0x3c: {  	p2 =	seq.s32 s10, $0x1;
	s10 =	sld [smem:$0x3FB9]  }
0x3d: {  	_ =	shalt  }
0x3e: {  	_ =	shalt  }
0x3f: {  	_ =	shalt  }
0x40: {  	_ =	shalt  }
0x41: {  	_ =	shalt  }
0x42: {  	_ =	shalt  }
0x43: {  	_ =	shalt  }
0x44: {  	_ =	shalt  }
0x45: {  	_ =	shalt  }
0x46: {  	_ =	shalt  }
0x47: {  	_ =	shalt  }
0x48: {  	_ =	shalt  }
0x49: {  	_ =	shalt  }
0x4a: {  	_ =	shalt  }
0x4b: {  	_ =	shalt  }
0x4c: {  	_ =	shalt  }
0x4d: {  	_ =	shalt  }
0x4e: {  	_ =	shalt  }
0x4f: {  	_ =	shalt  }
0x50: {  	_ =	shalt  }
0x51: {  	_ =	shalt  }
0x52: {  	_ =	shalt  }
0x53: {  	_ =	shalt  }
0x54: {  	_ =	shalt  }
0x55: {  	_ =	shalt  }
0x56: {  	_ =	shalt  }
0x57: {  	_ =	shalt  }
0x58: {  	_ =	shalt  }
0x59: {  	_ =	shalt  }
0x5a: {  	_ =	shalt  }
0x5b: {  	_ =	shalt  }
0x5c: {  	_ =	shalt  }
0x5d: {  	_ =	shalt  }
0x5e: {  	_ =	shalt  }
0x5f: {  	_ =	shalt  }
0x60: {  	_ =	shalt  }
0x61: {  	_ =	shalt  }
0x62: {  	_ =	shalt  }
0x63: {  	_ =	shalt  }
0x64: {  	_ =	shalt  }
0x65: {  	_ =	shalt  }
0x66: {  	_ =	shalt  }
0x67: {  	_ =	shalt  }
0x68: {  	_ =	shalt  }
0x69: {  	_ =	shalt  }
0x6a: {  	_ =	shalt  }
0x6b: {  	_ =	shalt  }
0x6c: {  	_ =	shalt  }
0x6d: {  	_ =	shalt  }
0x6e: {  	_ =	shalt  }
0x6f: {  	_ =	shalt  }
0x70: {  	_ =	shalt  }
0x71: {  	_ =	shalt  }
0x72: {  	_ =	shalt  }
0x73: {  	_ =	shalt  }
0x74: {  	_ =	shalt  }
0x75: {  	_ =	shalt  }
0x76: {  	_ =	shalt  }
0x77: {  	_ =	shalt  }
0x78: {  	_ =	shalt  }
0x79: {  	_ =	shalt  }
0x7a: {  	_ =	shalt  }
0x7b: {  	_ =	shalt  }
0x7c: {  	_ =	shalt  }
0x7d: {  	_ =	shalt  }
0x7e: {  	_ =	shalt  }
0x7f: {  	_ =	shalt  }
0x80: {  	_ =	shalt  }
0x81: {  	_ =	shalt  }
0x82: {  	_ =	shalt  }
0x83: {  	_ =	shalt  }
0x84: {  	_ =	shalt  }
0x85: {  	_ =	shalt  }
0x86: {  	_ =	shalt  }
0x87: {  	_ =	shalt  }
.Lfunc_end0:
.L_simem_size_0:
called_computation_lowered:
.L_overlay_start_0:
0x88: {  	s2 =	sld [smem:$0x3FD9]  }
0x89: {  	s3 =	sld [smem:$0x3FFE];
	_ =	sdelay $0x1  }
0x8a: {  	s1 =	srdreg.scid  }
0x8b: {  	s0 =	sand.u32 $0x1, s1  }
0x8c: {  	s17 =	sshll.u32 s0, $0xA;
	s2 =	sadd.s32 s3, s2  }
0x8d: {  	s2 =	sadd.s32 s2, s17  }
0x8e: {  	[smem:$0x3FC5] =	sst s2  }
0x8f: {  	_ = 	snop  }
0x90: {  	s2 =	sld [smem:$0x3FC9]  }
0x91: {  	s18 =	sld [smem:$0x3FC8]  }
0x92: {  	s4 =	sld [smem:$0x3FC7];
	(tm) =	ssettm $0x1  }
0x93: {  	s5 =	sld [smem:$0x3FFB];
	_ =	sdelay $0x3  }
0x94: {  	_ =	strace s5  }
0x95: {  	s5 =	sld [smem:$0x3FFC];
	_ =	sdelay $0x3  }
0x96: {  	_ =	strace s5  }
0x97: {  	s5 =	sld [smem:$0x3FFD];
	_ =	sdelay $0x3  }
0x98: {  	_ =	strace s5  }
0x99: {  	_ =	strace $0x8FFFFFFF  }
0x9a: {  	s19 =	sld [smem:$0x3FDB];
	_ =	sdelay $0x1  }
0x9b: {  	s6 =	simm.s32 $_scs_section_size  }
0x9c: {  	s7 =	simm.s32 $_size__tile_overlayer_lowered;
	s8 =	simm.s32 $_tile_overlayer_lowered  }
0x9d: {  	s22 =	simm.s32 $0x1BFF;
	s21 =	sshll.u32 s8, $0x1;
	s5 =	sadd.s32 s6, s19  }
0x9e: {  	s9 =	simm.s32 $0x0;
	s20 =	sshll.u32 s7, $0x1;
	s7 =	sadd.s32 s21, s5  }
0x9f: {  	[timem:s9], [sflag:s22] =	dma.local [hbm:s7], s20  }
0xa0: {  	_ =	swait.ge [sflag:s22], s20  }
0xa1: {  	s6 =	ssub.s32 $0x0, s20;
	[sflag:s22] =	ssyncset.done $0x0  }
0xa2: {  	[sflag:s22] =	ssyncadd.s32 s6;
	_ =	sdelay $0x1  }
0xa3: {  	s23 =	simm.s32 $0x1B8B  }
0xa4: {  	_ =	swait.ge [sflag:s23], $0x1  }
0xa5: {  	[sflag:s23] =	ssyncset.done $0x0  }
0xa6: {  	s25 =	simm.s32 $0x1B8E;
	s24 =	sld [smem:$0x3FFE];
	[sflag:s23] =	ssyncadd.s32 $0xFFFFFFFF  }
0xa7: {  	s26 =	simm.s32 $execute0_lowered;
	[smem:$0x3FD2] =	sst s25  }
0xa8: {  	s7 =	sshll.u32 s26, $0x1;
	_ =	strace $0x80000046;
	[dreg:$0x1] =	wrdreg $0xFFFFFFFF  }
0xa9: {  	s28 =	simm.s32 $_size_execute0_lowered;
	s5 =	sadd.s32 s5, s7;
	[dreg:$0x0] =	wrdreg $0x0  }
0xaa: {  	s7 =	sshll.u32 s28, $0x1;
	[dreg:$0x2] =	wrdreg s5  }
0xab: {  	[dreg:$0x3] =	wrdreg s7  }
0xac: {  	[dreg:$0x4] =	wrdreg $0xC0  }
0xad: {  	_ =	task [dreg:s9], $0x5FFFF  }
0xae: {  	[dreg:$0x1] =	wrdreg $0xFFFFFFFF  }
0xaf: {  	[dreg:$0x0] =	wrdreg $0x60  }
0xb0: {  	[dreg:$0x2] =	wrdreg s2  }
0xb1: {  	[dreg:$0x3] =	wrdreg s18  }
0xb2: {  	[dreg:$0x4] =	wrdreg s4  }
0xb3: {  	[dreg:$0x5] =	wrdreg s24  }
0xb4: {  	[dreg:$0x6] =	wrdreg $0x9  }
0xb5: {  	_ =	task.clear_ibuf [dreg:s9], $0x7FFFF;
	_ =	strace $0x90000046  }
0xb6: {  	s29 =	simm.s32 $0x9;
	_ =	strace $0x8000004E  }
0xb7: {  	_ =	swait.ge [sflag:s29], $0x1  }
0xb8: {  	[sflag:s29] =	ssyncadd.s32 $0xFFFFFFFF  }
0xb9: {  	_ =	strace $0x9000004E  }
0xba: {  	_ =	sfence  }
0xbb: {  	s30 =	sld [smem:$0x0];
	_ =	sdelay $0x2  }
0xbc: {  	s31 =	sshll.u32 s1, $0xD;
	s1 =	sshrl.u32 s1, $0x2  }
0xbd: {  	s3 =	sand.u32 $0x4000, s31;
	s1 =	sadd.s32 s1, s30  }
0xbe: {  	s0 =	sor.u32 s3, s0;
	s1 =	sshll.u32 s1, $0x11  }
0xbf: {  	s0 =	sor.u32 s1, s0  }
0xc0: {  	s0 =	sadd.s32 $0x8F2B, s0  }
0xc1: {  	[sflag:s0] =	ssyncadd.remote.s32 $0x1  }
0xc2: {  	_ =	sfence.sel $0xFFFF  }
0xc3: {  	[dreg:$0x0] =	wrdreg $0xFFFFFFFF;
	(pc) =	sbr.abs _section_cstart, $3  }
0xc4: {  	[dreg:$0x1] =	wrdreg $0xFFFFFFFF  }
0xc5: {  	_ =	task.clear_ibuf [dreg:s9], $0x2FFFF;
	_ =	strace $0x9FFFFFFF  }
0xc6: {  	(tm) =	ssettm $0x7FFFFFFF  }
0xc7: {  	_ =	shalt  }
tec
execute0_lowered:
.L_overlay_start_1:
0x0: {  	(tag) =	ssettag $0x1  }
0x1: {  	s1 =	rddreg [dreg:$0x0]  }
0x2: {  	s2 =	rddreg [dreg:$0x1]  }
0x3: {  	s3 =	rddreg [dreg:$0x2]  }
0x4: {  	s7 =	rddreg [dreg:$0x3]  }
0x5: {  	s4 =	srdreg.scid;
	s0 =	rddreg [dreg:$0x4];
	s5 =	simm.s32 $0x0  }
0x6: {  	s12 =	simm.s32 $0x4480;
	s13 =	simm.s32 $0x1;
	s14 =	simm.s32 $0x400  }
0x7: {  	s15 =	simm.s32 $0x0;
	s6 =	sand.u32 $0x1, s4;
	[smem:$0x7FF] =	sst s5  }
0x8: {  	s4 =	stileid.u32;
	s8 =	ssub.s32 $0x2, s6;
	s10 =	sshll.u32 s6, $0x4  }
0x9: {  	_ =	strace $0x80000047;
	s31 =	sshll.u32 s4, $0x5;
	s6 =	sor.u32 s4, s10  }
0xa: {  	s9 =	sshrl.u32 s8, $0x1;
	s10 =	sadd.s32 s7, s10;
	s6 =	sshll.u32 s6, $0xE  }
0xb: {  	s11 =	ssub.s32 s8, s9;
	s9 =	sadd.s32 s31, s10;
	s7 =	sadd.s32 s1, s6  }
0xc: {  	v0 =	vimm.f32 $0.0e+00;
	s8 =	sadd.s32 s2, s6;
	s10 =	smax.u32 s11, $0x1;
	s11 =	simm.s32 $0x480  }
.LBB2_1:
0xd: {  	[tilespmem:s5], [sflag:$0x1] =	stream.linear.gather [hbm4b:s3+s5], $0x400, $0x38;
	[tilespmem:$0x8480] =	vst v63  }
0xe: {  	_ =	swait.ge [sflag:s13], $0x400  }
0xf: {  	[sflag:s13] =	ssyncset.done $0x0  }
0x10: {  	[sflag:s13] =	ssyncadd.s32 $0xFFFFFC00  }
0x11: {  	[tilespmem:$0x400] =	vst v0  }
0x12: {  	s22 =	simm.s32 $0x0;
	_ =	strace $0x80000048  }
0x13: {  	[tilespmem:s11], [sflag:$0x1] =	stream.linear.gather [hbm4b:s7+s5], $0x2000, $0x200038;
	[tilespmem:$0x8480] =	vst v63  }
0x14: {  	s16 =	simm.s32 $0x0;
	s17 =	simm.s32 $0x1;
	s18 =	simm.s32 $0x0  }
0x15: {  	[tilespmem:s12], [sflag:$0x3] =	stream.linear.gather [hbm4b:s8+s5], $0x2000, $0x200038;
	[tilespmem:$0x8480] =	vst v63  }
0x16: {  	s19 =	simm.s32 $0x1;
	s20 =	simm.s32 $0x0;
	_ =	strace $0x90000048  }
.LBB2_2:
0x17: {  	s21 =	sadd.s32 $0x1, s22  }
0x18: {  	p0 =	seq.s32 s21, $0x10  }
0x19: {  	s21 =	simm.s32 @p0 $0x0;
	p0 =	seq.s32 s20, $0xF  }
0x1a: {  	p1 =	seq.s32 @!p0 s22, s21  }
0x1b: {  	p2 =	por p1, p0  }
0x1c: {  	s25 =	sshll.u32 @!p2 s21, $0xA  }
0x1d: {  	s23 =	sand.u32 @!p2 $0x1, s19;
	_ =	strace @!p2 $0x80000049;
	s25 =	sadd.s32 @!p2 s25, s6  }
0x1e: {  	s29 =	simm.s32 @!p2 $0x0;
	s26 =	sshll.u32 @!p2 s23, $0xD;
	s25 =	sand.u32 @!p2 $0x1FFFFC00, s25  }
0x1f: {  	s23 =	sadd.s32 @!p2 $0x1, s23;
	s26 =	sor.u32 @!p2 $0x480, s26;
	s28 =	sadd.s32 @!p2 s1, s25  }
0x20: {  	[tilespmem:s26], [sflag:s23] =	stream.linear.gather @!p2 [hbm4b:s28+s29], $0x2000, $0x200038;
	[tilespmem:$0x8480] =	vst v63  }
0x21: {  	s23 =	sand.u32 @!p2 $0x1, s17  }
0x22: {  	s25 =	sadd.s32 @!p2 s2, s25;
	_ =	strace @!p2 $0x90000049;
	s26 =	sshll.u32 @!p2 s23, $0xD  }
0x23: {  	s23 =	sadd.s32 @!p2 $0x3, s23;
	_ =	strace @!p2 $0x8000004A;
	s26 =	sor.u32 @!p2 $0x4480, s26  }
0x24: {  	[tilespmem:s26], [sflag:s23] =	stream.linear.gather @!p2 [hbm4b:s25+s29], $0x2000, $0x200038;
	[tilespmem:$0x8480] =	vst v63  }
0x25: {  	s23 =	sand.u32 $0x1, s18;
	_ =	strace @!p2 $0x9000004A  }
0x26: {  	s28 =	sadd.s32 $0x1, s23;
	_ =	strace $0x8000004B  }
0x27: {  	_ =	swait.ge [sflag:s28], $0x2000  }
0x28: {  	[sflag:s28] =	ssyncset.done $0x0  }
0x29: {  	s29 =	sand.u32 $0x1, s16;
	[sflag:s28] =	ssyncadd.s32 $0xFFFFE000  }
0x2a: {  	s30 =	sshll.u32 s29, $0xD;
	_ =	strace $0x9000004B  }
0x2b: {  	s25 =	sadd.s32 $0x3, s29;
	s26 =	sor.u32 $0x44F0, s30;
	_ =	strace $0x8000004C  }
0x2c: {  	v3 =	vmov s26;
	_ =	swait.ge [sflag:s25], $0x2000  }
0x2d: {  	[sflag:s25] =	ssyncset.done $0x0  }
0x2e: {  	[sflag:s25] =	ssyncadd.s32 $0xFFFFE000  }
0x2f: {  	_ =	strace $0x9000004C  }
0x30: {  	s31 =	simm.s32 $0x0;
	_ =	strace $0x8000004D  }
0x31: {  	s23 =	sshll.u32 s23, $0xD;
	v2 =	vld.idx.msk [tilespmem:v3+s31+$0x0 ss:$0x1], $0xffff  }
0x32: {  	s23 =	sor.u32 $0x4C0, s23;
	v4 =	vld.idx.msk [tilespmem:v3+s31+$0xFFFFFF90 ss:$0x1], $0xffff  }
0x33: {  	v1 =	vmov s23;
	v5 =	vld.idx.msk [tilespmem:v3+s31+$0xFFFFFFA0 ss:$0x1], $0xffff  }
0x34: {  	v6 =	vld.idx.msk [tilespmem:v3+s31+$0xFFFFFFB0 ss:$0x1], $0xffff  }
0x35: {  	v7 =	vld.idx.msk [tilespmem:v3+s31+$0xFFFFFFC0 ss:$0x1], $0xffff  }
0x36: {  	v8 =	vld.idx.msk [tilespmem:v3+s31+$0xFFFFFFD0 ss:$0x1], $0xffff  }
0x37: {  	v9 =	vld.idx.msk [tilespmem:v3+s31+$0xFFFFFFE0 ss:$0x1], $0xffff  }
0x38: {  	v13 =	vld.idx.msk [tilespmem:v1+s31+$0xFFFFFFC0 ss:$0x1], $0xffff;
	_ =	sdelay $0x1  }
0x39: {  	v15 =	vld.idx.msk [tilespmem:v1+s31+$0xFFFFFFD0 ss:$0x1], $0xffff;
	v10 =	vmul.f32 $1.000000000e+02, v2;
	v11 =	vmul.f32 $1.000000000e+02, v4  }
0x3a: {  	v12 =	vld.idx.msk [tilespmem:v3+s31+$0xFFFFFFF0 ss:$0x1], $0xffff;
	v14 =	vmul.f32 $1.000000000e+02, v5;
	v16 =	vmul.f32 $1.000000000e+02, v6  }
0x3b: {  	v17 =	vld.idx.msk [tilespmem:v1+s31+$0xFFFFFFE0 ss:$0x1], $0xffff;
	v18 =	vmul.f32 $1.000000000e+02, v7;
	v19 =	vmul.f32 $1.000000000e+02, v8;
	v10 =	vadd.f32 $8.388608000e+06, v10  }
0x3c: {  	v20 =	vld.idx.msk [tilespmem:v1+s31+$0x30 ss:$0x1], $0xffff;
	v22 =	vmul.f32 $1.000000000e+02, v9;
	v4 =	vsub.f32 v13, v4;
	v11 =	vadd.f32 $8.388608000e+06, v11  }
0x3d: {  	v14 =	vadd.f32 $8.388608000e+06, v14;
	v16 =	vadd.f32 $8.388608000e+06, v16;
	v10 =	vand.u32 $0x7FFFFF, v10  }
0x3e: {  	v21 =	vld.idx.msk [tilespmem:v1+s31+$0xFFFFFFF0 ss:$0x1], $0xffff;
	v5 =	vsub.f32 v15, v5;
	v18 =	vadd.f32 $8.388608000e+06, v18;
	v11 =	vand.u32 $0x7FFFFF, v11  }
0x3f: {  	v24 =	vld.idx.msk [tilespmem:v1+s31+$0x0 ss:$0x1], $0xffff;
	v22 =	vadd.f32 $8.388608000e+06, v22;
	v14 =	vand.u32 $0x7FFFFF, v14;
	v23 =	vand.u32 $0x7FFFFF, v16  }
0x40: {  	v16 =	vadd.f32 $8.388608000e+06, v19;
	v19 =	vmul.f32 $1.000000000e+02, v12;
	v13 =	vand.u32 $0x7FFFFF, v18;
	v18 =	vld.idx.msk [tilespmem:v1+s31+$0x10 ss:$0x1], $0xffff  }
0x41: {  	v26 =	vld.idx.msk [tilespmem:v1+s31+$0x20 ss:$0x1], $0xffff;
	v2 =	vsub.f32 v20, v2;
	v6 =	vsub.f32 v17, v6;
	v4 =	vmul.f32 v4, v4  }
0x42: {  	v27 =	vand.u32 $0x7FFFFF, v22;
	v25 =	vand.u32 $0x7FFFFF, v16;
	v16 =	vadd.f32 $8.388608000e+06, v19;
	v10 =	vld.idx.msk [tilespmem:v10+s5+$0x0], $0xffff  }
0x43: {  	v7 =	vsub.f32 v21, v7;
	v15 =	vmul.f32 v5, v5;
	v2 =	vmul.f32 v2, v2;
	v11 =	vld.idx.msk [tilespmem:v11+s5+$0x0], $0xffff  }
0x44: {  	v5 =	vand.u32 $0x7FFFFF, v16;
	v16 =	vmul.f32 v6, v6;
	v6 =	vsub.f32 v24, v8;
	v22 =	vld.idx.msk [tilespmem:v14+s5+$0x0], $0xffff  }
0x45: {  	v17 =	vmul.f32 v7, v7;
	v7 =	vimm.f32 $0.0e+00;
	v9 =	vsub.f32 v18, v9;
	v20 =	vld.idx.msk [tilespmem:v23+s5+$0x0], $0xffff  }
0x46: {  	p1 =	por !p1, p0;
	s23 =	sadd.s32 @!p2 $0x1, s19;
	v12 =	vsub.f32 v26, v12;
	v8 =	vimm.f32 $0.0e+00;
	v19 =	vld.idx.msk [tilespmem:v13+s5+$0x0], $0xffff;
	v14 =	vmul.f32 v6, v6  }
0x47: {  	s24 =	smov.u32 s19;
	s19 =	smov.u32 @p1 s23;
	s23 =	simm.s32 $0x0;
	v21 =	vld.idx.msk [tilespmem:v27+s5+$0x0], $0xffff;
	v6 =	vimm.f32 $0.0e+00;
	v13 =	vmul.f32 v9, v9;
	v2 =	vmul.f32 v2, v10  }
0x48: {  	s23 =	simm.s32 @p1 $0x1;
	s19 =	smov.u32 @p0 s24;
	v18 =	vld.idx.msk [tilespmem:v25+s5+$0x0], $0xffff;
	v9 =	vimm.f32 $0.0e+00;
	v23 =	vmul.f32 v4, v11;
	v10 =	vimm.f32 $0.0e+00  }
0x49: {  	s24 =	simm.s32 $0x80;
	s23 =	simm.s32 @p0 $0x0;
	s25 =	simm.s32 $0x400;
	v11 =	vld.idx.msk [tilespmem:v5+s5+$0x0], $0xffff;
	v5 =	vimm.f32 $0.0e+00;
	v4 =	vimm.f32 $0.0e+00;
	v2 =	vadd.f32 v2, v8  }
.LBB2_3:
0x4a: {  	p1 =	sne.s32 s25, $0x7E00;
	v24 =	vld.idx.msk [tilespmem:v3+s24+$0x0 ss:$0x1], $0xffff;
	v15 =	vmul.f32 v15, v22;
	v12 =	vmul.f32 v12, v12  }
0x4b: {  	v16 =	vmul.f32 v16, v20;
	v22 =	vld.idx.msk [tilespmem:v3+s24+$0xFFFFFF90 ss:$0x1], $0xffff;
	v8 =	vadd.f32 v23, v8  }
0x4c: {  	v20 =	vld.idx.msk [tilespmem:v3+s24+$0xFFFFFFA0 ss:$0x1], $0xffff;
	v10 =	vadd.f32 v15, v10;
	v15 =	vmul.f32 v17, v19  }
0x4d: {  	v9 =	vadd.f32 v16, v9;
	v14 =	vmul.f32 v14, v18;
	v17 =	vld.idx.msk [tilespmem:v3+s24+$0xFFFFFFB0 ss:$0x1], $0xffff  }
0x4e: {  	v13 =	vmul.f32 v13, v21;
	v18 =	vld.idx.msk [tilespmem:v3+s24+$0xFFFFFFC0 ss:$0x1], $0xffff;
	v7 =	vadd.f32 v15, v7  }
0x4f: {  	v6 =	vadd.f32 v14, v6;
	v11 =	vmul.f32 v12, v11;
	v19 =	vld.idx.msk [tilespmem:v3+s24+$0xFFFFFFD0 ss:$0x1], $0xffff  }
0x50: {  	v14 =	vmul.f32 $1.000000000e+02, v24;
	v5 =	vadd.f32 v13, v5;
	v12 =	vld.idx.msk [tilespmem:v3+s24+$0xFFFFFFE0 ss:$0x1], $0xffff  }
0x51: {  	v13 =	vmul.f32 $1.000000000e+02, v22;
	v4 =	vadd.f32 v11, v4;
	v23 =	vld.idx.msk [tilespmem:v3+s24+$0xFFFFFFF0 ss:$0x1], $0xffff  }
0x52: {  	v15 =	vmul.f32 $1.000000000e+02, v20;
	v14 =	vadd.f32 $8.388608000e+06, v14;
	v11 =	vld.idx.msk [tilespmem:v1+s24+$0xFFFFFFC0 ss:$0x1], $0xffff  }
0x53: {  	v13 =	vadd.f32 $8.388608000e+06, v13;
	v21 =	vmul.f32 $1.000000000e+02, v17;
	v16 =	vld.idx.msk [tilespmem:v1+s24+$0xFFFFFFD0 ss:$0x1], $0xffff  }
0x54: {  	v15 =	vadd.f32 $8.388608000e+06, v15;
	v26 =	vmul.f32 $1.000000000e+02, v18;
	v14 =	vand.u32 $0x7FFFFF, v14;
	v25 =	vld.idx.msk [tilespmem:v1+s24+$0xFFFFFFE0 ss:$0x1], $0xffff  }
0x55: {  	v13 =	vand.u32 $0x7FFFFF, v13;
	v21 =	vadd.f32 $8.388608000e+06, v21;
	v27 =	vmul.f32 $1.000000000e+02, v19;
	v28 =	vld.idx.msk [tilespmem:v1+s24+$0x30 ss:$0x1], $0xffff  }
0x56: {  	v29 =	vand.u32 $0x7FFFFF, v15;
	v15 =	vadd.f32 $8.388608000e+06, v26;
	v26 =	vmul.f32 $1.000000000e+02, v12;
	v30 =	vld.idx.msk [tilespmem:v1+s24+$0xFFFFFFF0 ss:$0x1], $0xffff  }
0x57: {  	v21 =	vand.u32 $0x7FFFFF, v21;
	v27 =	vadd.f32 $8.388608000e+06, v27;
	v32 =	vmul.f32 $1.000000000e+02, v23;
	v31 =	vld.idx.msk [tilespmem:v1+s24+$0x0 ss:$0x1], $0xffff  }
0x58: {  	v11 =	vsub.f32 v11, v22;
	v33 =	vand.u32 $0x7FFFFF, v15;
	v15 =	vadd.f32 $8.388608000e+06, v26;
	v34 =	vld.idx.msk [tilespmem:v1+s24+$0x10 ss:$0x1], $0xffff  }
0x59: {  	v16 =	vsub.f32 v16, v20;
	v26 =	vand.u32 $0x7FFFFF, v27;
	v20 =	vadd.f32 $8.388608000e+06, v32;
	v27 =	vld.idx.msk [tilespmem:v14+s5+$0x0], $0xffff  }
0x5a: {  	v11 =	vmul.f32 v11, v11;
	v14 =	vsub.f32 v25, v17;
	v25 =	vand.u32 $0x7FFFFF, v15;
	v32 =	vld.idx.msk [tilespmem:v1+s24+$0x20 ss:$0x1], $0xffff  }
0x5b: {  	v15 =	vmul.f32 v16, v16;
	v36 =	vand.u32 $0x7FFFFF, v20;
	v35 =	vld.idx.msk [tilespmem:v13+s5+$0x0], $0xffff;
	v13 =	vsub.f32 v28, v24  }
0x5c: {  	v16 =	vmul.f32 v14, v14;
	v14 =	vsub.f32 v30, v18;
	v22 =	vld.idx.msk [tilespmem:v29+s5+$0x0], $0xffff  }
.Ltmp0:
0x5d: {  	v20 =	vld.idx.msk [tilespmem:v21+s5+$0x0], $0xffff;
	v21 =	vsub.f32 v31, v19;
	v13 =	vmul.f32 v13, v13;
	(pc) =	sbr.rel @p1 .LBB2_3-.Ltmp0, $4  }
0x5e: {  	v17 =	vmul.f32 v14, v14;
	v12 =	vsub.f32 v34, v12;
	v19 =	vld.idx.msk [tilespmem:v33+s5+$0x0], $0xffff  }
0x5f: {  	v18 =	vld.idx.msk [tilespmem:v26+s5+$0x0], $0xffff;
	v14 =	vmul.f32 v21, v21;
	v24 =	vmul.f32 v13, v27  }
0x60: {  	v13 =	vmul.f32 v12, v12;
	v12 =	vsub.f32 v32, v23;
	v21 =	vld.idx.msk [tilespmem:v25+s5+$0x0], $0xffff  }
0x61: {  	s24 =	sshra.s32 s25, $0x2;
	s25 =	sadd.s32 $0x200, s25;
	v23 =	vmul.f32 v11, v35;
	v11 =	vld.idx.msk [tilespmem:v36+s5+$0x0], $0xffff;
	v2 =	vadd.f32 v24, v2  }
0x62: {  	_ =	sdelay $0x3  }
0x63: {  	v24 =	vld.idx.msk [tilespmem:v3+s24+$0xFFFFFF90 ss:$0x1], $0xffff  }
0x64: {  	v25 =	vld.idx.msk [tilespmem:v3+s24+$0xFFFFFFA0 ss:$0x1], $0xffff;
	_ =	sdelay $0x1  }
0x65: {  	v26 =	vld.idx.msk [tilespmem:v3+s24+$0xFFFFFFB0 ss:$0x1], $0xffff;
	_ =	sdelay $0x1  }
0x66: {  	v28 =	vld.idx.msk [tilespmem:v3+s24+$0xFFFFFFC0 ss:$0x1], $0xffff;
	v29 =	vmul.f32 $1.000000000e+02, v24  }
0x67: {  	v27 =	vld.idx.msk [tilespmem:v3+s24+$0x0 ss:$0x1], $0xffff;
	v31 =	vmul.f32 $1.000000000e+02, v25  }
0x68: {  	v30 =	vld.idx.msk [tilespmem:v3+s24+$0xFFFFFFD0 ss:$0x1], $0xffff;
	v29 =	vadd.f32 $8.388608000e+06, v29  }
0x69: {  	v32 =	vld.idx.msk [tilespmem:v3+s24+$0xFFFFFFE0 ss:$0x1], $0xffff;
	v15 =	vmul.f32 v15, v22;
	v63 =	vmul.f32 $1.000000000e+02, v26;
	v31 =	vadd.f32 $8.388608000e+06, v31  }
0x6a: {  	v3 =	vld.idx.msk [tilespmem:v3+s24+$0xFFFFFFF0 ss:$0x1], $0xffff;
	v16 =	vmul.f32 v16, v20;
	v12 =	vmul.f32 v12, v12;
	v37 =	vand.u32 $0x7FFFFF, v29  }
0x6b: {  	v36 =	vld.idx.msk [tilespmem:v1+s24+$0xFFFFFFC0 ss:$0x1], $0xffff;
	v33 =	vmul.f32 $1.000000000e+02, v28;
	v22 =	vadd.f32 $8.388608000e+06, v63;
	v31 =	vand.u32 $0x7FFFFF, v31  }
0x6c: {  	v38 =	vld.idx.msk [tilespmem:v1+s24+$0xFFFFFFD0 ss:$0x1], $0xffff;
	v8 =	vadd.f32 v23, v8;
	v39 =	vmul.f32 v17, v19;
	v10 =	vadd.f32 v15, v10  }
0x6d: {  	v40 =	vld.idx.msk [tilespmem:v1+s24+$0xFFFFFFE0 ss:$0x1], $0xffff;
	v41 =	vmul.f32 $1.000000000e+02, v30;
	v33 =	vadd.f32 $8.388608000e+06, v33;
	v22 =	vand.u32 $0x7FFFFF, v22  }
0x6e: {  	v42 =	vld.idx.msk [tilespmem:v1+s24+$0xFFFFFFF0 ss:$0x1], $0xffff;
	v9 =	vadd.f32 v16, v9;
	v14 =	vmul.f32 v14, v18;
	v7 =	vadd.f32 v39, v7  }
0x6f: {  	v43 =	vmul.f32 $1.000000000e+02, v32;
	v17 =	vadd.f32 $8.388608000e+06, v41;
	v44 =	vand.u32 $0x7FFFFF, v33;
	v45 =	vld.idx.msk [tilespmem:v37+s5+$0x0], $0xffff  }
0x70: {  	v13 =	vmul.f32 v13, v21;
	v20 =	vsub.f32 v36, v24;
	v46 =	vmul.f32 $1.000000000e+02, v3;
	v48 =	vld.idx.msk [tilespmem:v31+s5+$0x0], $0xffff  }
0x71: {  	v49 =	vld.idx.msk [tilespmem:v1+s24+$0x0 ss:$0x1], $0xffff;
	v47 =	vsub.f32 v38, v25;
	v15 =	vadd.f32 $8.388608000e+06, v43;
	v17 =	vand.u32 $0x7FFFFF, v17  }
0x72: {  	v16 =	vsub.f32 v40, v26;
	v50 =	vmul.f32 $1.000000000e+02, v27;
	v20 =	vmul.f32 v20, v20;
	v22 =	vld.idx.msk [tilespmem:v22+s5+$0x0], $0xffff  }
0x73: {  	v51 =	vld.idx.msk [tilespmem:v1+s24+$0x10 ss:$0x1], $0xffff;
	v23 =	vadd.f32 $8.388608000e+06, v46;
	v24 =	vmul.f32 v47, v47;
	v15 =	vand.u32 $0x7FFFFF, v15  }
0x74: {  	v19 =	vsub.f32 v42, v28;
	v26 =	vadd.f32 $8.388608000e+06, v50;
	v16 =	vmul.f32 v16, v16;
	v18 =	vld.idx.msk [tilespmem:v44+s5+$0x0], $0xffff  }
0x75: {  	v52 =	vld.idx.msk [tilespmem:v1+s24+$0x20 ss:$0x1], $0xffff;
	v23 =	vand.u32 $0x7FFFFF, v23;
	v20 =	vmul.f32 v20, v45;
	v24 =	vmul.f32 v24, v48  }
0x76: {  	v54 =	vsub.f32 v49, v30;
	v19 =	vmul.f32 v19, v19;
	v53 =	vand.u32 $0x7FFFFF, v26;
	v17 =	vld.idx.msk [tilespmem:v17+s5+$0x0], $0xffff  }
0x77: {  	v1 =	vld.idx.msk [tilespmem:v1+s24+$0x30 ss:$0x1], $0xffff;
	v16 =	vmul.f32 v16, v22;
	v8 =	vadd.f32 v20, v8;
	v10 =	vadd.f32 v24, v10  }
0x78: {  	v6 =	vadd.f32 v14, v6;
	v55 =	vsub.f32 v51, v32;
	v56 =	vmul.f32 v54, v54;
	v15 =	vld.idx.msk [tilespmem:v15+s5+$0x0], $0xffff  }
0x79: {  	v18 =	vmul.f32 v19, v18;
	v9 =	vadd.f32 v16, v9;
	v8 =	vadd.f32 v10, v8  }
0x7a: {  	v57 =	vmul.f32 v12, v11;
	v3 =	vsub.f32 v52, v3;
	v58 =	vmul.f32 v55, v55;
	v59 =	vld.idx.msk [tilespmem:v23+s5+$0x0], $0xffff  }
0x7b: {  	v60 =	vmul.f32 v56, v17;
	v7 =	vadd.f32 v18, v7;
	v8 =	vadd.f32 v9, v8  }
0x7c: {  	v5 =	vadd.f32 v13, v5;
	v1 =	vsub.f32 v1, v27;
	v3 =	vmul.f32 v3, v3;
	v61 =	vld.idx.msk [tilespmem:v53+s5+$0x0], $0xffff  }
0x7d: {  	v11 =	vmul.f32 v58, v15;
	v6 =	vadd.f32 v60, v6;
	v7 =	vadd.f32 v7, v8  }
0x7e: {  	v4 =	vadd.f32 v57, v4;
	v1 =	vmul.f32 v1, v1  }
0x7f: {  	v3 =	vmul.f32 v3, v59;
	v5 =	vadd.f32 v11, v5;
	v6 =	vadd.f32 v6, v7;
	_ =	sdelay $0x1  }
0x80: {  	v1 =	vmul.f32 v1, v61;
	v3 =	vadd.f32 v3, v4;
	v62 =	vadd.f32 v5, v6  }
0x81: {  	v63 =	vld [tilespmem:$0x400]  }
0x82: {  	p1 =	sne.s32 s22, s21;
	v1 =	vadd.f32 v1, v2;
	v2 =	vadd.f32 v3, v62  }
0x83: {  	s22 =	simm.s32 $0x1;
	s20 =	sadd.s32 $0x1, s20;
	p0 =	por p0, p1  }
0x84: {  	s22 =	simm.s32 @!p0 $0x0;
	p0 =	sne.s32 s20, $0x10;
	v1 =	vadd.f32 v1, v2  }
.Ltmp1:
0x85: {  	_ = 	snop;
	(pc) =	sbr.rel @p0 .LBB2_2-.Ltmp1, $3  }
0x86: {  	v1 =	vadd.f32 v63, v1;
	_ =	sdelay $0x1  }
0x87: {  	s17 =	sadd.s32 s17, s23;
	s18 =	sadd.s32 s22, s18;
	[tilespmem:$0x400] =	vst v1  }
0x88: {  	s16 =	sadd.s32 s22, s16;
	s22 =	smov.u32 s21;
	_ =	strace $0x9000004D  }
0x89: {  	s15 =	sadd.s32 $0x1, s15  }
0x8a: {  	p0 =	sne.s32 s15, s10  }
.Ltmp2:
0x8b: {  	_ = 	snop;
	(pc) =	sbr.rel @p0 .LBB2_1-.Ltmp2, $4  }
0x8c: {  	[hbm4b:s9+s5] =	stream.linear.scatter [tilespmem:s14], [sflag:$0x1], $0x80, $0x38;
	[tilespmem:$0x8480] =	vst v63  }
0x8d: {  	_ =	swait.ge [sflag:s13], $0x80  }
0x8e: {  	[sflag:s13] =	ssyncset.done $0x0  }
0x8f: {  	[sflag:s13] =	ssyncadd.s32 $0xFFFFFF80  }
0x90: {  	_ =	sfence.sel $0x180000  }
0x91: {  	[bflag:$0x0] =	sbarrier.arrive $0xFFFF  }
0x92: {  	p0 =	sne.s32 s4, $0x0;
	_ =	strace $0x90000047  }
0x93: {  	s0 =	sadd.s32 @!p0 $0x100000, s0;
	[bflag:$0x2] =	sbarrier.arrive $0xFFFF  }
0x94: {  	[sflag:s0] =	ssyncadd.tile.s32 @!p0 $0x1;
	_ =	shalt  }
.Lfunc_end2:
_tile_overlayer_lowered:
.L_overlay_start_2:
0x95: {  	(tag) =	ssettag $0x2  }
0x96: {  	s0 =	rddreg [dreg:$0x0];
	s2 =	stileid.u32  }
0x97: {  	s1 =	rddreg [dreg:$0x1];
	p0 =	sne.s32 s2, $0x0  }
0x98: {  	s3 =	rddreg [dreg:$0x2];
	[bflag:$0x3] =	sbarrier.arrive $0xFFFF;
	s2 =	simm.s32 @!p0 $0x1C01  }
0x99: {  	[timem:s3], [sflag:s2] =	dma.local @!p0 [hbm:s0], s1  }
0x9a: {  	s0 =	simm.s32 @!p0 $0x1  }
0x9b: {  	_ =	swait.ge @!p0 [sflag:s0], s1  }
0x9c: {  	s1 =	ssub.s32 @!p0 $0x0, s1;
	[sflag:s0] =	ssyncset.done @!p0 $0x0  }
0x9d: {  	[sflag:s0] =	ssyncadd.s32 @!p0 s1  }
0x9e: {  	[bflag:$0x3] =	sbarrier.arrive $0xFFFF  }
0x9f: {  	_ =	shalt  }

</sc_bundles>
